<compile_context>
chip_gen: v7x
topology: tpu7x:2x2x1
jax: 0.10.2.dev20260603
libtpu: 0.0.44.dev20260713+nightly
codegen_flags: <defaults>
</compile_context>

<pallas_src>
import functools

import jax
import jax.numpy as jnp
from jax import lax
from jax.experimental import pallas as pl
from jax.experimental.pallas import tpu as pltpu
from jax.experimental.pallas import tpu_sc as plsc

N = 10000
E = 320000
F = 128
H = 4
C = 32
G = 64

NW = 32
E2 = 331776
PER_W = E2 // NW
CH = 128
NCHUNK = PER_W // CH

BE = 512
NBLK = E2 // BE
NPAD = 10752
RW = 640
BN = 1000



def _proj_body(x_ref, w_ref, a_ref, h_ref, sn_ref):
    hb = jnp.dot(x_ref[...], w_ref[...], preferred_element_type=jnp.float32)
    h_ref[...] = hb
    sn_ref[...] = jnp.dot(hb, a_ref[...], preferred_element_type=jnp.float32)


def _project(x, W, Apack):
    return pl.pallas_call(
        _proj_body,
        grid=(N // BN,),
        in_specs=[
            pl.BlockSpec((BN, F), lambda b: (b, 0)),
            pl.BlockSpec((F, H * C), lambda b: (0, 0)),
            pl.BlockSpec((F, 16), lambda b: (0, 0)),
        ],
        out_specs=[
            pl.BlockSpec((BN, H * C), lambda b: (b, 0)),
            pl.BlockSpec((BN, 16), lambda b: (b, 0)),
        ],
        out_shape=[
            jax.ShapeDtypeStruct((N, H * C), jnp.float32),
            jax.ShapeDtypeStruct((N, 16), jnp.float32),
        ],
    )(x, W, Apack)



_sc_mesh = plsc.VectorSubcoreMesh(core_axis_name="c", subcore_axis_name="s")


@functools.partial(
    pl.kernel,
    mesh=_sc_mesh,
    out_type=jax.ShapeDtypeStruct((E2, F), jnp.float32),
    scratch_types=(
        pltpu.VMEM((CH,), jnp.int32),
        pltpu.VMEM((CH, F), jnp.float32),
        pltpu.SemaphoreType.DMA,
    ),
)
def _sc_gather(h_hbm, src_hbm, hsrc_o, src_v, hrows, sem1):
    wid = lax.axis_index("s") * 2 + lax.axis_index("c")
    base = wid * PER_W

    def body(i, carry):
        off = base + i * CH
        pltpu.sync_copy(src_hbm.at[pl.ds(off, CH)], src_v)
        pltpu.async_copy(h_hbm.at[src_v], hrows, sem1).wait()
        pltpu.sync_copy(hrows, hsrc_o.at[pl.ds(off, CH)])
        return carry

    lax.fori_loop(0, NCHUNK, body, 0)



def _seg_body(hsrc_ref, dstv_ref, snode_ref, apack_ref, dmin_ref, num_ref):
    b = pl.program_id(0)

    @pl.when(b == 0)
    def _():
        num_ref[...] = jnp.zeros_like(num_ref)

    dmin = dmin_ref[b, 0]
    dbase = pl.multiple_of((dmin // 8) * 8, 8)
    loc = dstv_ref[...] - dbase
    iota = lax.broadcasted_iota(jnp.int32, (BE, RW), 1)
    oh = (loc == iota).astype(jnp.float32)

    hs = hsrc_ref[...]
    asrc_e = jnp.dot(hs, apack_ref[...],
                     preferred_element_type=jnp.float32)
    snb = snode_ref[pl.ds(dbase, RW), :]
    adst_e = jnp.dot(oh, snb, preferred_element_type=jnp.float32)

    e = asrc_e[:, 0:H] + adst_e[:, H:2 * H]
    e = jnp.where(e > 0, e, 0.2 * e)
    s = jnp.exp(e)
    parts = [s[:, hh:hh + 1] * hs[:, hh * C:(hh + 1) * C] for hh in range(H)]
    parts.append(s)
    parts.append(jnp.zeros((BE, 256 - F - H), jnp.float32))
    vals = jnp.concatenate(parts, axis=1)

    contrib = lax.dot_general(
        oh, vals, (((0,), (0,)), ((), ())),
        preferred_element_type=jnp.float32)
    num_ref[pl.ds(dbase, RW), :] = num_ref[pl.ds(dbase, RW), :] + contrib


def _segment_sum(hsrc, dstv, snode_pad, Apack, dmins):
    return pl.pallas_call(
        _seg_body,
        grid=(NBLK,),
        in_specs=[
            pl.BlockSpec((BE, F), lambda b: (b, 0)),
            pl.BlockSpec((BE, 1), lambda b: (b, 0)),
            pl.BlockSpec((NPAD, 16), lambda b: (0, 0)),
            pl.BlockSpec((F, 16), lambda b: (0, 0)),
            pl.BlockSpec(memory_space=pltpu.SMEM),
        ],
        out_specs=pl.BlockSpec((NPAD, 256), lambda b: (0, 0)),
        out_shape=jax.ShapeDtypeStruct((NPAD, 256), jnp.float32),
    )(hsrc, dstv, snode_pad, Apack, dmins)



def _pool_body(num_ref, batch_ref, bias_ref, gmp_ref, gap_ref,
               gmax_s, gsum_s, gcnt_s):
    b = pl.program_id(0)

    @pl.when(b == 0)
    def _():
        gmax_s[...] = jnp.full((G, F), -jnp.inf, jnp.float32)
        gsum_s[...] = jnp.zeros((G, F), jnp.float32)
        gcnt_s[...] = jnp.zeros((G, F), jnp.float32)

    nb = num_ref[...]
    hn_parts = [
        nb[:, hh * C:(hh + 1) * C] / (nb[:, F + hh:F + hh + 1] + 1e-16)
        for hh in range(H)
    ]
    hn = jnp.concatenate(hn_parts, axis=1) + bias_ref[...]
    hn = jnp.maximum(hn, 0.0)

    bid = batch_ref[...]
    ohg = (bid == lax.broadcasted_iota(jnp.int32, (BN, G), 1)
           ).astype(jnp.float32)
    gsum_s[...] += lax.dot_general(
        ohg, hn, (((0,), (0,)), ((), ())), preferred_element_type=jnp.float32)
    gcnt_s[...] += lax.dot_general(
        ohg, jnp.ones((BN, F), jnp.float32), (((0,), (0,)), ((), ())),
        preferred_element_type=jnp.float32)
    for g in range(G):
        m = jnp.max(jnp.where(bid == g, hn, -jnp.inf), axis=0, keepdims=True)
        gmax_s[g:g + 1, :] = jnp.maximum(gmax_s[g:g + 1, :], m)

    @pl.when(b == (N // BN) - 1)
    def _():
        gmp_ref[...] = gmax_s[...]
        gap_ref[...] = gsum_s[...] / jnp.maximum(gcnt_s[...], 1.0)


def _pool(num_full, batchv, biasv):
    return pl.pallas_call(
        _pool_body,
        grid=(N // BN,),
        in_specs=[
            pl.BlockSpec((BN, 256), lambda b: (b, 0)),
            pl.BlockSpec((BN, 1), lambda b: (b, 0)),
            pl.BlockSpec((1, F), lambda b: (0, 0)),
        ],
        out_specs=[
            pl.BlockSpec((G, F), lambda b: (0, 0)),
            pl.BlockSpec((G, F), lambda b: (0, 0)),
        ],
        out_shape=[
            jax.ShapeDtypeStruct((G, F), jnp.float32),
            jax.ShapeDtypeStruct((G, F), jnp.float32),
        ],
        scratch_shapes=[
            pltpu.VMEM((G, F), jnp.float32),
            pltpu.VMEM((G, F), jnp.float32),
            pltpu.VMEM((G, F), jnp.float32),
        ],
    )(num_full, batchv, biasv)



@jax.jit
def kernel(x, edge_index, batch, W, att_src, att_dst, bias):
    Apack = jnp.zeros((F, 16), jnp.float32)
    for hh in range(H):
        Apack = Apack.at[hh * C:(hh + 1) * C, hh].set(att_src[hh])
        Apack = Apack.at[hh * C:(hh + 1) * C, H + hh].set(att_dst[hh])

    h, snode = _project(x, W, Apack)

    loop = jnp.arange(N, dtype=jnp.int32)
    pad = E2 - (E + N)
    src_p = jnp.concatenate([edge_index[0], loop, jnp.zeros((pad,), jnp.int32)])
    dst_p = jnp.concatenate([edge_index[1], loop, jnp.full((pad,), N, jnp.int32)])
    order = jnp.argsort(dst_p)
    src_s = src_p[order]
    dst_s = dst_p[order]

    hsrc = _sc_gather(h, src_s)

    dstv = dst_s.reshape(E2, 1)
    dmins = dst_s.reshape(NBLK, BE)[:, 0:1]
    snode_pad = jnp.pad(snode, ((0, NPAD - N), (0, 0)))
    num_full = _segment_sum(hsrc, dstv, snode_pad, Apack, dmins)

    gmp, gap = _pool(num_full, batch.reshape(N, 1), bias.reshape(1, F))
    return jnp.concatenate([gmp, gap], axis=1)

# --- scband reference (transcript-rebuilt; emitter-appended) ---
"""Pipeline reference for scband-graph-net-0-38826504355977 (READ-ONLY COPY).

The authoritative reference and input builder live on the scoring server;
editing this copy changes nothing except your own understanding.
"""

import jax, jax.numpy as jnp
import numpy as np

N = 10000
E = 320000
F = 128
H = 4
C = 32
G = 64


def setup_inputs(seed: int = 0) -> dict:
    key = jax.random.key(seed)
    k1, k2, k3, k4, k5, k6 = jax.random.split(key, 6)
    x = jax.random.normal(k1, (N, F), dtype=jnp.float32)
    edge_index = jax.random.randint(k2, (2, E), 0, N, dtype=jnp.int32)
    batch = jnp.sort(jax.random.randint(k3, (N,), 0, G, dtype=jnp.int32))
    W = jax.random.normal(k4, (F, H * C), dtype=jnp.float32) * (1.0 / np.sqrt(F))
    att_src = jax.random.normal(k5, (H, C), dtype=jnp.float32) * 0.1
    att_dst = jax.random.normal(k6, (H, C), dtype=jnp.float32) * 0.1
    bias = jnp.zeros((H * C,), dtype=jnp.float32)
    return {"x": x, "edge_index": edge_index, "batch": batch, "W": W,
            "att_src": att_src, "att_dst": att_dst, "bias": bias}


def _gat_conv(x, src, dst, W, att_src, att_dst, bias):
    n = x.shape[0]
    h = (x @ W).reshape(n, H, C)
    a_src = (h * att_src[None, :, :]).sum(-1)  # [N, H]
    a_dst = (h * att_dst[None, :, :]).sum(-1)  # [N, H]
    e = a_src[src] + a_dst[dst]  # [E, H]
    e = jax.nn.leaky_relu(e, negative_slope=0.2)
    e_max = jax.ops.segment_max(e, dst, num_segments=n)
    e_exp = jnp.exp(e - e_max[dst])
    denom = jax.ops.segment_sum(e_exp, dst, num_segments=n)
    alpha = e_exp / (denom[dst] + 1e-16)  # [E, H]
    msg = h[src] * alpha[:, :, None]  # [E, H, C]
    out = jax.ops.segment_sum(msg, dst, num_segments=n).reshape(n, H * C)
    return out + bias[None, :]


def reference(x, edge_index, batch, W, att_src, att_dst, bias):
    # GATConv with self-loops (PyG default add_self_loops=True)
    loop = jnp.arange(N, dtype=edge_index.dtype)
    src = jnp.concatenate([edge_index[0], loop])
    dst = jnp.concatenate([edge_index[1], loop])
    h = _gat_conv(x, src, dst, W, att_src, att_dst, bias)
    h = jax.nn.relu(h)  # hidden_act = 'relu'
    # global max pool and global mean pool per graph
    gmp = jax.ops.segment_max(h, batch, num_segments=G)
    sums = jax.ops.segment_sum(h, batch, num_segments=G)
    counts = jax.ops.segment_sum(jnp.ones((N, 1), dtype=h.dtype), batch, num_segments=G)
    gap = sums / jnp.maximum(counts, 1.0)
    return jnp.concatenate([gmp, gap], axis=1)

if __name__ == "__main__":
    import jax
    _d = setup_inputs()
    print(jax.jit(kernel)(*tuple(_d.values())))

</pallas_src>

<mosaic_0001>
#map = affine_map<(d0, d1) -> (0, 0)>
#map1 = affine_map<(d0, d1) -> (0)>
module attributes {stable_mosaic.version = 14 : i64} {
  func.func @_sc_gather(%arg0: i32, %arg1: i32, %arg2: memref<10000x128xf32, #tpu.memory_space<hbm>>, %arg3: memref<331776xi32, #tpu.memory_space<hbm>>, %arg4: memref<331776x128xf32, #tpu.memory_space<hbm>>, %arg5: memref<128xi32, #tpu.memory_space<vmem>>, %arg6: memref<128x128xf32, #tpu.memory_space<vmem>>, %arg7: memref<!tpu.dma_semaphore, #tpu.memory_space<semaphore_mem>>) attributes {dimension_semantics = [#tpu.dimension_semantics<core_parallel>, #tpu.dimension_semantics<subcore_parallel>], iteration_bounds = array<i64: 2, 16>, scalar_prefetch = 0 : i64, scratch_operands = 3 : i64, tpu.core_type = #tpu.core_type<sc_vector_subcore>, window_params = [{transform_indices = #map}, {transform_indices = #map1}, {transform_indices = #map}]} {
    %mul3A = arith.constant 2 : i32
    %mul3A_0 = arith.muli %arg1, %mul3A : i32
    %add3A = arith.addi %mul3A_0, %arg0 : i32
    %mul3A_1 = arith.constant 10368 : i32
    %mul3A_2 = arith.muli %add3A, %mul3A_1 : i32
    %scan3A = arith.constant 0 : i32
    %scan3A_3 = arith.constant 0 : i32
    %scan3A_4 = arith.constant 81 : i32
    %scan3A_5 = arith.addi %scan3A_3, %scan3A_4 : i32
    %scan3A_6 = arith.constant 1 : i32
    scf.for %scan3A_8 = %scan3A_3 to %scan3A_5 step %scan3A_6  : i32 {
      %mul3A_9 = arith.constant 128 : i32
      %mul3A_10 = arith.muli %scan3A_8, %mul3A_9 : i32
      %add3A_11 = arith.addi %mul3A_2, %mul3A_10 : i32
      "tpu.region"() ({
        %run_scoped3A = tpu.sem_alloc : memref<!tpu.dma_semaphore, #tpu.memory_space<semaphore_mem>>
        %dma_start3A_16 = tpu.memref_slice %arg3[%add3A_11] : memref<331776xi32, #tpu.memory_space<hbm>> -> memref<128xi32, #tpu.memory_space<hbm>>
        %dma_start3A_17 = tpu.memref_slice %arg3[%add3A_11] : memref<331776xi32, #tpu.memory_space<hbm>> -> memref<128xi32, #tpu.memory_space<hbm>>
        tpu.enqueue_dma source(%dma_start3A_17 : memref<128xi32, #tpu.memory_space<hbm>>) target(%arg5 : memref<128xi32, #tpu.memory_space<vmem>>) target_semaphore(%run_scoped3A : memref<!tpu.dma_semaphore, #tpu.memory_space<semaphore_mem>>)
        %dma_wait3A_18 = tpu.memref_slice %arg3[%add3A_11] : memref<331776xi32, #tpu.memory_space<hbm>> -> memref<128xi32, #tpu.memory_space<hbm>>
        %dma_wait3A_19 = tpu.memref_slice %arg3[%add3A_11] : memref<331776xi32, #tpu.memory_space<hbm>> -> memref<128xi32, #tpu.memory_space<hbm>>
        tpu.wait_dma2 semaphore(%run_scoped3A : memref<!tpu.dma_semaphore, #tpu.memory_space<semaphore_mem>>) src(%dma_wait3A_19 : memref<128xi32, #tpu.memory_space<hbm>>) dst(%arg5 : memref<128xi32, #tpu.memory_space<vmem>>)
        tpu.yield
      }) : () -> ()
      %dma_start3A = arith.constant 0 : i32
      %dma_start3A_12 = arith.constant 0 : i32
      %dma_start3A_13 = tpu.memref_slice %arg2[%dma_start3A, %dma_start3A_12] : memref<10000x128xf32, #tpu.memory_space<hbm>> -> memref<10000x128xf32, #tpu.memory_space<hbm>>
      tpu.enqueue_indirect_dma source(%dma_start3A_13 : memref<10000x128xf32, #tpu.memory_space<hbm>>) target(%arg6 : memref<128x128xf32, #tpu.memory_space<vmem>>) offsets(%arg5 : memref<128xi32, #tpu.memory_space<vmem>>) semaphore(%arg7 : memref<!tpu.dma_semaphore, #tpu.memory_space<semaphore_mem>>)
      %dma_wait3A = arith.constant 0 : i32
      %dma_wait3A_14 = arith.constant 0 : i32
      %dma_wait3A_15 = tpu.memref_slice %arg2[%dma_wait3A, %dma_wait3A_14] : memref<10000x128xf32, #tpu.memory_space<hbm>> -> memref<10000x128xf32, #tpu.memory_space<hbm>>
      tpu.wait_indirect_dma semaphore(%arg7 : memref<!tpu.dma_semaphore, #tpu.memory_space<semaphore_mem>>) src(%dma_wait3A_15 : memref<10000x128xf32, #tpu.memory_space<hbm>>) dst(%arg6 : memref<128x128xf32, #tpu.memory_space<vmem>>)
      "tpu.region"() ({
        %run_scoped3A = tpu.sem_alloc : memref<!tpu.dma_semaphore, #tpu.memory_space<semaphore_mem>>
        %dma_start3A_16 = arith.constant 0 : i32
        %dma_start3A_17 = tpu.memref_slice %arg4[%add3A_11, %dma_start3A_16] : memref<331776x128xf32, #tpu.memory_space<hbm>> -> memref<128x128xf32, #tpu.memory_space<hbm>>
        %dma_start3A_18 = arith.constant 0 : i32
        %dma_start3A_19 = tpu.memref_slice %arg4[%add3A_11, %dma_start3A_18] : memref<331776x128xf32, #tpu.memory_space<hbm>> -> memref<128x128xf32, #tpu.memory_space<hbm>>
        tpu.enqueue_dma source(%arg6 : memref<128x128xf32, #tpu.memory_space<vmem>>) target(%dma_start3A_19 : memref<128x128xf32, #tpu.memory_space<hbm>>) target_semaphore(%run_scoped3A : memref<!tpu.dma_semaphore, #tpu.memory_space<semaphore_mem>>)
        %dma_wait3A_20 = arith.constant 0 : i32
        %dma_wait3A_21 = tpu.memref_slice %arg4[%add3A_11, %dma_wait3A_20] : memref<331776x128xf32, #tpu.memory_space<hbm>> -> memref<128x128xf32, #tpu.memory_space<hbm>>
        %dma_wait3A_22 = arith.constant 0 : i32
        %dma_wait3A_23 = tpu.memref_slice %arg4[%add3A_11, %dma_wait3A_22] : memref<331776x128xf32, #tpu.memory_space<hbm>> -> memref<128x128xf32, #tpu.memory_space<hbm>>
        tpu.wait_dma2 semaphore(%run_scoped3A : memref<!tpu.dma_semaphore, #tpu.memory_space<semaphore_mem>>) src(%arg6 : memref<128x128xf32, #tpu.memory_space<vmem>>) dst(%dma_wait3A_23 : memref<128x128xf32, #tpu.memory_space<hbm>>)
        tpu.yield
      }) : () -> ()
    }
    %scan3A_7 = arith.constant 81 : i32
    return
  }
}

module attributes {stable_mosaic.version = 14 : i64} {
  func.func @_proj_body(%arg0: i32, %arg1: memref<1000x128xf32, #tpu.memory_space<vmem>>, %arg2: memref<128x128xf32, #tpu.memory_space<vmem>>, %arg3: memref<128x16xf32, #tpu.memory_space<vmem>>, %arg4: memref<1000x128xf32, #tpu.memory_space<vmem>>, %arg5: memref<1000x16xf32, #tpu.memory_space<vmem>>) attributes {dimension_semantics = [#tpu.dimension_semantics<arbitrary>], iteration_bounds = array<i64: 10>, scalar_prefetch = 0 : i64, scratch_operands = 0 : i64, tpu.core_type = #tpu.core_type<tc>, window_params = [{transform_indices = @transform_0, window_bounds = array<i64: 1000, 128>}, {pipeline_mode = #tpu.pipeline_mode<synchronous>, transform_indices = @transform_1, window_bounds = array<i64: 128, 128>}, {pipeline_mode = #tpu.pipeline_mode<synchronous>, transform_indices = @transform_2, window_bounds = array<i64: 128, 16>}, {transform_indices = @transform_3, window_bounds = array<i64: 1000, 128>}, {transform_indices = @transform_4, window_bounds = array<i64: 1000, 16>}]} {
    %get3A = arith.constant 0 : index
    %get3A_0 = arith.constant 0 : index
    %get3A_1 = vector.load %arg1[%get3A, %get3A_0] : memref<1000x128xf32, #tpu.memory_space<vmem>>, vector<1000x128xf32>
    %get3A_2 = arith.constant 0 : index
    %get3A_3 = arith.constant 0 : index
    %get3A_4 = vector.load %arg2[%get3A_2, %get3A_3] : memref<128x128xf32, #tpu.memory_space<vmem>>, vector<128x128xf32>
    %dot_general3A = arith.constant dense<0.000000e+00> : vector<1000x128xf32>
    %dot_general3A_5 = tpu.matmul %get3A_1, %get3A_4, %dot_general3A {dimension_numbers = #tpu.dot_dimension_numbers<[1], [0], [0], [1], [0, 0, 1, 1], [], []>, transpose_lhs_hint = false} : vector<1000x128xf32>, vector<128x128xf32>, vector<1000x128xf32> -> vector<1000x128xf32>
    %swap3A = arith.constant 0 : index
    %swap3A_6 = arith.constant 0 : index
    %swap3A_7 = vector.load %arg4[%swap3A, %swap3A_6] : memref<1000x128xf32, #tpu.memory_space<vmem>>, vector<1000x128xf32>
    tpu.vector_store %arg4[%swap3A, %swap3A_6], %dot_general3A_5 {strides = array<i32>} : memref<1000x128xf32, #tpu.memory_space<vmem>>, vector<1000x128xf32>,
    %get3A_8 = arith.constant 0 : index
    %get3A_9 = arith.constant 0 : index
    %get3A_10 = vector.load %arg3[%get3A_8, %get3A_9] : memref<128x16xf32, #tpu.memory_space<vmem>>, vector<128x16xf32>
    %dot_general3A_11 = arith.constant dense<0.000000e+00> : vector<1000x16xf32>
    %dot_general3A_12 = tpu.matmul %dot_general3A_5, %get3A_10, %dot_general3A_11 {dimension_numbers = #tpu.dot_dimension_numbers<[1], [0], [0], [1], [0, 0, 1, 1], [], []>, transpose_lhs_hint = false} : vector<1000x128xf32>, vector<128x16xf32>, vector<1000x16xf32> -> vector<1000x16xf32>
    %swap3A_13 = arith.constant 0 : index
    %swap3A_14 = arith.constant 0 : index
    %swap3A_15 = vector.load %arg5[%swap3A_13, %swap3A_14] : memref<1000x16xf32, #tpu.memory_space<vmem>>, vector<1000x16xf32>
    tpu.vector_store %arg5[%swap3A_13, %swap3A_14], %dot_general3A_12 {strides = array<i32>} : memref<1000x16xf32, #tpu.memory_space<vmem>>, vector<1000x16xf32>,
    return
  }
  func.func @transform_0(%arg0: i32) -> (i32, i32) {
    %c0_i32 = arith.constant 0 : i32
    %c0_i32_0 = arith.constant 0 : i32
    return %arg0, %c0_i32 : i32, i32
  }
  func.func @transform_1(%arg0: i32) -> (i32, i32) {
    %c0_i32 = arith.constant 0 : i32
    %c0_i32_0 = arith.constant 0 : i32
    %c0_i32_1 = arith.constant 0 : i32
    return %c0_i32, %c0_i32_0 : i32, i32
  }
  func.func @transform_2(%arg0: i32) -> (i32, i32) {
    %c0_i32 = arith.constant 0 : i32
    %c0_i32_0 = arith.constant 0 : i32
    %c0_i32_1 = arith.constant 0 : i32
    return %c0_i32, %c0_i32_0 : i32, i32
  }
  func.func @transform_3(%arg0: i32) -> (i32, i32) {
    %c0_i32 = arith.constant 0 : i32
    %c0_i32_0 = arith.constant 0 : i32
    return %arg0, %c0_i32 : i32, i32
  }
  func.func @transform_4(%arg0: i32) -> (i32, i32) {
    %c0_i32 = arith.constant 0 : i32
    %c0_i32_0 = arith.constant 0 : i32
    return %arg0, %c0_i32 : i32, i32
  }
}

module attributes {stable_mosaic.version = 14 : i64} {
  func.func @_seg_body(%arg0: i32, %arg1: memref<512x128xf32, #tpu.memory_space<vmem>>, %arg2: memref<512x1xi32, #tpu.memory_space<vmem>>, %arg3: memref<10752x16xf32, #tpu.memory_space<vmem>>, %arg4: memref<128x16xf32, #tpu.memory_space<vmem>>, %arg5: memref<648x1xi32, #tpu.memory_space<smem>>, %arg6: memref<10752x256xf32, #tpu.memory_space<vmem>>) attributes {dimension_semantics = [#tpu.dimension_semantics<arbitrary>], iteration_bounds = array<i64: 648>, scalar_prefetch = 0 : i64, scratch_operands = 0 : i64, tpu.core_type = #tpu.core_type<tc>, window_params = [{transform_indices = @transform_0, window_bounds = array<i64: 512, 128>}, {transform_indices = @transform_1, window_bounds = array<i64: 512, 1>}, {pipeline_mode = #tpu.pipeline_mode<synchronous>, transform_indices = @transform_2, window_bounds = array<i64: 10752, 16>}, {pipeline_mode = #tpu.pipeline_mode<synchronous>, transform_indices = @transform_3, window_bounds = array<i64: 128, 16>}, {transform_indices = @transform_4, window_bounds = array<i64: 648, 1>}, {pipeline_mode = #tpu.pipeline_mode<synchronous>, transform_indices = @transform_5, window_bounds = array<i64: 10752, 256>}]} {
    %eq3A = arith.constant 0 : i32
    %eq3A_0 = arith.cmpi eq, %arg0, %eq3A : i32
    %convert_element_type3A = arith.extui %eq3A_0 : i1 to i32
    %cond3A = arith.constant 0 : i32
    %cond3A_1 = arith.cmpi ne, %convert_element_type3A, %cond3A : i32
    scf.if %cond3A_1 {
      %broadcast_in_dim3A_74 = arith.constant 0.000000e+00 : f32
      %broadcast_in_dim3A_75 = vector.broadcast %broadcast_in_dim3A_74 : f32 to vector<10752x256xf32>
      %swap3A_76 = arith.constant 0 : index
      %swap3A_77 = arith.constant 0 : index
      %swap3A_78 = vector.load %arg6[%swap3A_76, %swap3A_77] : memref<10752x256xf32, #tpu.memory_space<vmem>>, vector<10752x256xf32>
      tpu.vector_store %arg6[%swap3A_76, %swap3A_77], %broadcast_in_dim3A_75 {strides = array<i32>} : memref<10752x256xf32, #tpu.memory_space<vmem>>, vector<10752x256xf32>,
    } else {
    }
    %get3A = arith.index_cast %arg0 : i32 to index
    %get3A_2 = arith.constant 0 : index
    %get3A_3 = memref.load %arg5[%get3A, %get3A_2] : memref<648x1xi32, #tpu.memory_space<smem>>
    %jit3A = arith.constant 8 : i32
    %div3A = arith.divsi %get3A_3, %jit3A : i32
    %sign3A = arith.constant 0 : i32
    %sign3A_4 = arith.cmpi sgt, %get3A_3, %sign3A : i32
    %sign3A_5 = arith.extui %sign3A_4 : i1 to i32
    %sign3A_6 = arith.constant 0 : i32
    %sign3A_7 = arith.cmpi slt, %get3A_3, %sign3A_6 : i32
    %sign3A_8 = arith.extui %sign3A_7 : i1 to i32
    %sign3A_9 = arith.subi %sign3A_5, %sign3A_8 : i32
    %sign3A_10 = arith.constant 0 : i32
    %sign3A_11 = arith.cmpi sgt, %jit3A, %sign3A_10 : i32
    %sign3A_12 = arith.extui %sign3A_11 : i1 to i32
    %sign3A_13 = arith.constant 0 : i32
    %sign3A_14 = arith.cmpi slt, %jit3A, %sign3A_13 : i32
    %sign3A_15 = arith.extui %sign3A_14 : i1 to i32
    %sign3A_16 = arith.subi %sign3A_12, %sign3A_15 : i32
    %ne3A = arith.cmpi ne, %sign3A_9, %sign3A_16 : i32
    %rem3A = arith.remsi %get3A_3, %jit3A : i32
    %ne3A_17 = arith.constant 0 : i32
    %ne3A_18 = arith.cmpi ne, %rem3A, %ne3A_17 : i32
    %and3A = arith.andi %ne3A, %ne3A_18 : i1
    %sub3A = arith.constant 1 : i32
    %sub3A_19 = arith.subi %div3A, %sub3A : i32
    %select_n3A = arith.select %and3A, %sub3A_19, %div3A : i32
    %mul3A = arith.constant 8 : i32
    %mul3A_20 = arith.muli %select_n3A, %mul3A : i32
    %multiple_of3A = tpu.assume_multiple %mul3A_20, 8 : i32
    %get3A_21 = arith.constant 0 : index
    %get3A_22 = arith.constant 0 : index
    %get3A_23 = vector.load %arg2[%get3A_21, %get3A_22] : memref<512x1xi32, #tpu.memory_space<vmem>>, vector<512x1xi32>
    %sub3A_24 = vector.broadcast %multiple_of3A : i32 to vector<512x1xi32>
    %sub3A_25 = arith.subi %get3A_23, %sub3A_24 : vector<512x1xi32>
    %iota3A = tpu.iota {dimensions = array<i32: 1>} : vector<512x640xi32>
    %eq3A_26 = vector.broadcast %sub3A_25 : vector<512x1xi32> to vector<512x640xi32>
    %eq3A_27 = arith.cmpi eq, %eq3A_26, %iota3A : vector<512x640xi32>
    %convert_element_type3A_28 = arith.extui %eq3A_27 : vector<512x640xi1> to vector<512x640xi32>
    %convert_element_type3A_29 = arith.sitofp %convert_element_type3A_28 : vector<512x640xi32> to vector<512x640xf32>
    %get3A_30 = arith.constant 0 : index
    %get3A_31 = arith.constant 0 : index
    %get3A_32 = vector.load %arg1[%get3A_30, %get3A_31] : memref<512x128xf32, #tpu.memory_space<vmem>>, vector<512x128xf32>
    %get3A_33 = arith.constant 0 : index
    %get3A_34 = arith.constant 0 : index
    %get3A_35 = vector.load %arg4[%get3A_33, %get3A_34] : memref<128x16xf32, #tpu.memory_space<vmem>>, vector<128x16xf32>
    %dot_general3A = arith.constant dense<0.000000e+00> : vector<512x16xf32>
    %dot_general3A_36 = tpu.matmul %get3A_32, %get3A_35, %dot_general3A {dimension_numbers = #tpu.dot_dimension_numbers<[1], [0], [0], [1], [0, 0, 1, 1], [], []>, transpose_lhs_hint = false} : vector<512x128xf32>, vector<128x16xf32>, vector<512x16xf32> -> vector<512x16xf32>
    %get3A_37 = arith.index_cast %multiple_of3A : i32 to index
    %get3A_38 = arith.constant 0 : index
    %get3A_39 = vector.load %arg3[%get3A_37, %get3A_38] : memref<10752x16xf32, #tpu.memory_space<vmem>>, vector<640x16xf32>
    %dot_general3A_40 = arith.constant dense<0.000000e+00> : vector<512x16xf32>
    %dot_general3A_41 = tpu.matmul %convert_element_type3A_29, %get3A_39, %dot_general3A_40 {dimension_numbers = #tpu.dot_dimension_numbers<[1], [0], [0], [1], [0, 0, 1, 1], [], []>, transpose_lhs_hint = false} : vector<512x640xf32>, vector<640x16xf32>, vector<512x16xf32> -> vector<512x16xf32>
    %slice3A = vector.extract_strided_slice %dot_general3A_36 {offsets = [0, 0], sizes = [512, 4], strides = [1, 1]} : vector<512x16xf32> to vector<512x4xf32>
    %slice3A_42 = vector.extract_strided_slice %dot_general3A_41 {offsets = [0, 4], sizes = [512, 4], strides = [1, 1]} : vector<512x16xf32> to vector<512x4xf32>
    %add3A = arith.addf %slice3A, %slice3A_42 : vector<512x4xf32>
    %gt3A = arith.constant 0.000000e+00 : f32
    %gt3A_43 = vector.broadcast %gt3A : f32 to vector<512x4xf32>
    %gt3A_44 = arith.cmpf ogt, %add3A, %gt3A_43 : vector<512x4xf32>
    %mul3A_45 = arith.constant 2.000000e-01 : f32
    %mul3A_46 = vector.broadcast %mul3A_45 : f32 to vector<512x4xf32>
    %mul3A_47 = arith.mulf %mul3A_46, %add3A : vector<512x4xf32>
    %select_n3A_48 = arith.select %gt3A_44, %add3A, %mul3A_47 : vector<512x4xi1>, vector<512x4xf32>
    %exp3A = math.exp %select_n3A_48 : vector<512x4xf32>
    %slice3A_49 = vector.extract_strided_slice %exp3A {offsets = [0, 0], sizes = [512, 1], strides = [1, 1]} : vector<512x4xf32> to vector<512x1xf32>
    %slice3A_50 = vector.extract_strided_slice %get3A_32 {offsets = [0, 0], sizes = [512, 32], strides = [1, 1]} : vector<512x128xf32> to vector<512x32xf32>
    %mul3A_51 = vector.broadcast %slice3A_49 : vector<512x1xf32> to vector<512x32xf32>
    %mul3A_52 = arith.mulf %mul3A_51, %slice3A_50 : vector<512x32xf32>
    %slice3A_53 = vector.extract_strided_slice %exp3A {offsets = [0, 1], sizes = [512, 1], strides = [1, 1]} : vector<512x4xf32> to vector<512x1xf32>
    %slice3A_54 = vector.extract_strided_slice %get3A_32 {offsets = [0, 32], sizes = [512, 32], strides = [1, 1]} : vector<512x128xf32> to vector<512x32xf32>
    %mul3A_55 = vector.broadcast %slice3A_53 : vector<512x1xf32> to vector<512x32xf32>
    %mul3A_56 = arith.mulf %mul3A_55, %slice3A_54 : vector<512x32xf32>
    %slice3A_57 = vector.extract_strided_slice %exp3A {offsets = [0, 2], sizes = [512, 1], strides = [1, 1]} : vector<512x4xf32> to vector<512x1xf32>
    %slice3A_58 = vector.extract_strided_slice %get3A_32 {offsets = [0, 64], sizes = [512, 32], strides = [1, 1]} : vector<512x128xf32> to vector<512x32xf32>
    %mul3A_59 = vector.broadcast %slice3A_57 : vector<512x1xf32> to vector<512x32xf32>
    %mul3A_60 = arith.mulf %mul3A_59, %slice3A_58 : vector<512x32xf32>
    %slice3A_61 = vector.extract_strided_slice %exp3A {offsets = [0, 3], sizes = [512, 1], strides = [1, 1]} : vector<512x4xf32> to vector<512x1xf32>
    %slice3A_62 = vector.extract_strided_slice %get3A_32 {offsets = [0, 96], sizes = [512, 32], strides = [1, 1]} : vector<512x128xf32> to vector<512x32xf32>
    %mul3A_63 = vector.broadcast %slice3A_61 : vector<512x1xf32> to vector<512x32xf32>
    %mul3A_64 = arith.mulf %mul3A_63, %slice3A_62 : vector<512x32xf32>
    %broadcast_in_dim3A = arith.constant 0.000000e+00 : f32
    %broadcast_in_dim3A_65 = vector.broadcast %broadcast_in_dim3A : f32 to vector<512x124xf32>
    %concatenate3A = tpu.concatenate %mul3A_52, %mul3A_56, %mul3A_60, %mul3A_64, %exp3A, %broadcast_in_dim3A_65 in 1 : vector<512x32xf32>, vector<512x32xf32>, vector<512x32xf32>, vector<512x32xf32>, vector<512x4xf32>, vector<512x124xf32> -> vector<512x256xf32>
    %dot_general3A_66 = arith.constant dense<0.000000e+00> : vector<640x256xf32>
    %dot_general3A_67 = tpu.matmul %convert_element_type3A_29, %concatenate3A, %dot_general3A_66 {dimension_numbers = #tpu.dot_dimension_numbers<[0], [0], [1], [1], [0, 1, 1, 1], [], []>, transpose_lhs_hint = false} : vector<512x640xf32>, vector<512x256xf32>, vector<640x256xf32> -> vector<640x256xf32>
    %get3A_68 = arith.index_cast %multiple_of3A : i32 to index
    %get3A_69 = arith.constant 0 : index
    %get3A_70 = vector.load %arg6[%get3A_68, %get3A_69] : memref<10752x256xf32, #tpu.memory_space<vmem>>, vector<640x256xf32>
    %add3A_71 = arith.addf %get3A_70, %dot_general3A_67 : vector<640x256xf32>
    %swap3A = arith.index_cast %multiple_of3A : i32 to index
    %swap3A_72 = arith.constant 0 : index
    %swap3A_73 = vector.load %arg6[%swap3A, %swap3A_72] : memref<10752x256xf32, #tpu.memory_space<vmem>>, vector<640x256xf32>
    tpu.vector_store %arg6[%swap3A, %swap3A_72], %add3A_71 {strides = array<i32>} : memref<10752x256xf32, #tpu.memory_space<vmem>>, vector<640x256xf32>,
    return
  }
  func.func @transform_0(%arg0: i32) -> (i32, i32) {
    %c0_i32 = arith.constant 0 : i32
    %c0_i32_0 = arith.constant 0 : i32
    return %arg0, %c0_i32 : i32, i32
  }
  func.func @transform_1(%arg0: i32) -> (i32, i32) {
    %c0_i32 = arith.constant 0 : i32
    %c0_i32_0 = arith.constant 0 : i32
    return %arg0, %c0_i32 : i32, i32
  }
  func.func @transform_2(%arg0: i32) -> (i32, i32) {
    %c0_i32 = arith.constant 0 : i32
    %c0_i32_0 = arith.constant 0 : i32
    %c0_i32_1 = arith.constant 0 : i32
    return %c0_i32, %c0_i32_0 : i32, i32
  }
  func.func @transform_3(%arg0: i32) -> (i32, i32) {
    %c0_i32 = arith.constant 0 : i32
    %c0_i32_0 = arith.constant 0 : i32
    %c0_i32_1 = arith.constant 0 : i32
    return %c0_i32, %c0_i32_0 : i32, i32
  }
  func.func @transform_4(%arg0: i32) -> (i32, i32) {
    %c0_i32 = arith.constant 0 : i32
    %c0_i32_0 = arith.constant 0 : i32
    %c0_i32_1 = arith.constant 0 : i32
    return %c0_i32, %c0_i32_0 : i32, i32
  }
  func.func @transform_5(%arg0: i32) -> (i32, i32) {
    %c0_i32 = arith.constant 0 : i32
    %c0_i32_0 = arith.constant 0 : i32
    %c0_i32_1 = arith.constant 0 : i32
    return %c0_i32, %c0_i32_0 : i32, i32
  }
}

module attributes {stable_mosaic.version = 14 : i64} {
  func.func @_pool_body(%arg0: i32, %arg1: memref<1000x256xf32, #tpu.memory_space<vmem>>, %arg2: memref<1000x1xi32, #tpu.memory_space<vmem>>, %arg3: memref<1x128xf32, #tpu.memory_space<vmem>>, %arg4: memref<64x128xf32, #tpu.memory_space<vmem>>, %arg5: memref<64x128xf32, #tpu.memory_space<vmem>>, %arg6: memref<64x128xf32, #tpu.memory_space<vmem>>, %arg7: memref<64x128xf32, #tpu.memory_space<vmem>>, %arg8: memref<64x128xf32, #tpu.memory_space<vmem>>) attributes {dimension_semantics = [#tpu.dimension_semantics<arbitrary>], iteration_bounds = array<i64: 10>, scalar_prefetch = 0 : i64, scratch_operands = 3 : i64, tpu.core_type = #tpu.core_type<tc>, window_params = [{transform_indices = @transform_0, window_bounds = array<i64: 1000, 256>}, {transform_indices = @transform_1, window_bounds = array<i64: 1000, 1>}, {pipeline_mode = #tpu.pipeline_mode<synchronous>, transform_indices = @transform_2, window_bounds = array<i64: 1, 128>}, {pipeline_mode = #tpu.pipeline_mode<synchronous>, transform_indices = @transform_3, window_bounds = array<i64: 64, 128>}, {pipeline_mode = #tpu.pipeline_mode<synchronous>, transform_indices = @transform_4, window_bounds = array<i64: 64, 128>}]} {
    %eq3A = arith.constant 0 : i32
    %eq3A_0 = arith.cmpi eq, %arg0, %eq3A : i32
    %convert_element_type3A = arith.extui %eq3A_0 : i1 to i32
    %cond3A = arith.constant 0 : i32
    %cond3A_1 = arith.cmpi ne, %convert_element_type3A, %cond3A : i32
    scf.if %cond3A_1 {
      %broadcast_in_dim3A_1214 = arith.constant 0xFF800000 : f32
      %broadcast_in_dim3A_1215 = vector.broadcast %broadcast_in_dim3A_1214 : f32 to vector<64x128xf32>
      %swap3A_1216 = arith.constant 0 : index
      %swap3A_1217 = arith.constant 0 : index
      %swap3A_1218 = vector.load %arg6[%swap3A_1216, %swap3A_1217] : memref<64x128xf32, #tpu.memory_space<vmem>>, vector<64x128xf32>
      tpu.vector_store %arg6[%swap3A_1216, %swap3A_1217], %broadcast_in_dim3A_1215 {strides = array<i32>} : memref<64x128xf32, #tpu.memory_space<vmem>>, vector<64x128xf32>,
      %broadcast_in_dim3A_1219 = arith.constant 0.000000e+00 : f32
      %broadcast_in_dim3A_1220 = vector.broadcast %broadcast_in_dim3A_1219 : f32 to vector<64x128xf32>
      %swap3A_1221 = arith.constant 0 : index
      %swap3A_1222 = arith.constant 0 : index
      %swap3A_1223 = vector.load %arg7[%swap3A_1221, %swap3A_1222] : memref<64x128xf32, #tpu.memory_space<vmem>>, vector<64x128xf32>
      tpu.vector_store %arg7[%swap3A_1221, %swap3A_1222], %broadcast_in_dim3A_1220 {strides = array<i32>} : memref<64x128xf32, #tpu.memory_space<vmem>>, vector<64x128xf32>,
      %broadcast_in_dim3A_1224 = arith.constant 0.000000e+00 : f32
      %broadcast_in_dim3A_1225 = vector.broadcast %broadcast_in_dim3A_1224 : f32 to vector<64x128xf32>
      %swap3A_1226 = arith.constant 0 : index
      %swap3A_1227 = arith.constant 0 : index
      %swap3A_1228 = vector.load %arg8[%swap3A_1226, %swap3A_1227] : memref<64x128xf32, #tpu.memory_space<vmem>>, vector<64x128xf32>
      tpu.vector_store %arg8[%swap3A_1226, %swap3A_1227], %broadcast_in_dim3A_1225 {strides = array<i32>} : memref<64x128xf32, #tpu.memory_space<vmem>>, vector<64x128xf32>,
    } else {
    }
    %get3A = arith.constant 0 : index
    %get3A_2 = arith.constant 0 : index
    %get3A_3 = vector.load %arg1[%get3A, %get3A_2] : memref<1000x256xf32, #tpu.memory_space<vmem>>, vector<1000x256xf32>
    %slice3A = vector.extract_strided_slice %get3A_3 {offsets = [0, 0], sizes = [1000, 32], strides = [1, 1]} : vector<1000x256xf32> to vector<1000x32xf32>
    %slice3A_4 = vector.extract_strided_slice %get3A_3 {offsets = [0, 128], sizes = [1000, 1], strides = [1, 1]} : vector<1000x256xf32> to vector<1000x1xf32>
    %add3A = arith.constant 1.000000e-16 : f32
    %add3A_5 = vector.broadcast %add3A : f32 to vector<1000x1xf32>
    %add3A_6 = arith.addf %slice3A_4, %add3A_5 : vector<1000x1xf32>
    %div3A = vector.broadcast %add3A_6 : vector<1000x1xf32> to vector<1000x32xf32>
    %div3A_7 = arith.divf %slice3A, %div3A : vector<1000x32xf32>
    %slice3A_8 = vector.extract_strided_slice %get3A_3 {offsets = [0, 32], sizes = [1000, 32], strides = [1, 1]} : vector<1000x256xf32> to vector<1000x32xf32>
    %slice3A_9 = vector.extract_strided_slice %get3A_3 {offsets = [0, 129], sizes = [1000, 1], strides = [1, 1]} : vector<1000x256xf32> to vector<1000x1xf32>
    %add3A_10 = arith.constant 1.000000e-16 : f32
    %add3A_11 = vector.broadcast %add3A_10 : f32 to vector<1000x1xf32>
    %add3A_12 = arith.addf %slice3A_9, %add3A_11 : vector<1000x1xf32>
    %div3A_13 = vector.broadcast %add3A_12 : vector<1000x1xf32> to vector<1000x32xf32>
    %div3A_14 = arith.divf %slice3A_8, %div3A_13 : vector<1000x32xf32>
    %slice3A_15 = vector.extract_strided_slice %get3A_3 {offsets = [0, 64], sizes = [1000, 32], strides = [1, 1]} : vector<1000x256xf32> to vector<1000x32xf32>
    %slice3A_16 = vector.extract_strided_slice %get3A_3 {offsets = [0, 130], sizes = [1000, 1], strides = [1, 1]} : vector<1000x256xf32> to vector<1000x1xf32>
    %add3A_17 = arith.constant 1.000000e-16 : f32
    %add3A_18 = vector.broadcast %add3A_17 : f32 to vector<1000x1xf32>
    %add3A_19 = arith.addf %slice3A_16, %add3A_18 : vector<1000x1xf32>
    %div3A_20 = vector.broadcast %add3A_19 : vector<1000x1xf32> to vector<1000x32xf32>
    %div3A_21 = arith.divf %slice3A_15, %div3A_20 : vector<1000x32xf32>
    %slice3A_22 = vector.extract_strided_slice %get3A_3 {offsets = [0, 96], sizes = [1000, 32], strides = [1, 1]} : vector<1000x256xf32> to vector<1000x32xf32>
    %slice3A_23 = vector.extract_strided_slice %get3A_3 {offsets = [0, 131], sizes = [1000, 1], strides = [1, 1]} : vector<1000x256xf32> to vector<1000x1xf32>
    %add3A_24 = arith.constant 1.000000e-16 : f32
    %add3A_25 = vector.broadcast %add3A_24 : f32 to vector<1000x1xf32>
    %add3A_26 = arith.addf %slice3A_23, %add3A_25 : vector<1000x1xf32>
    %div3A_27 = vector.broadcast %add3A_26 : vector<1000x1xf32> to vector<1000x32xf32>
    %div3A_28 = arith.divf %slice3A_22, %div3A_27 : vector<1000x32xf32>
    %concatenate3A = tpu.concatenate %div3A_7, %div3A_14, %div3A_21, %div3A_28 in 1 : vector<1000x32xf32>, vector<1000x32xf32>, vector<1000x32xf32>, vector<1000x32xf32> -> vector<1000x128xf32>
    %get3A_29 = arith.constant 0 : index
    %get3A_30 = arith.constant 0 : index
    %get3A_31 = vector.load %arg3[%get3A_29, %get3A_30] : memref<1x128xf32, #tpu.memory_space<vmem>>, vector<1x128xf32>
    %add3A_32 = vector.broadcast %get3A_31 : vector<1x128xf32> to vector<1000x128xf32>
    %add3A_33 = arith.addf %concatenate3A, %add3A_32 : vector<1000x128xf32>
    %max3A = arith.constant 0.000000e+00 : f32
    %max3A_34 = vector.broadcast %max3A : f32 to vector<1000x128xf32>
    %max3A_35 = arith.maximumf %add3A_33, %max3A_34 : vector<1000x128xf32>
    %get3A_36 = arith.constant 0 : index
    %get3A_37 = arith.constant 0 : index
    %get3A_38 = vector.load %arg2[%get3A_36, %get3A_37] : memref<1000x1xi32, #tpu.memory_space<vmem>>, vector<1000x1xi32>
    %iota3A = tpu.iota {dimensions = array<i32: 1>} : vector<1000x64xi32>
    %eq3A_39 = vector.broadcast %get3A_38 : vector<1000x1xi32> to vector<1000x64xi32>
    %eq3A_40 = arith.cmpi eq, %eq3A_39, %iota3A : vector<1000x64xi32>
    %convert_element_type3A_41 = arith.extui %eq3A_40 : vector<1000x64xi1> to vector<1000x64xi32>
    %convert_element_type3A_42 = arith.sitofp %convert_element_type3A_41 : vector<1000x64xi32> to vector<1000x64xf32>
    %get3A_43 = arith.constant 0 : index
    %get3A_44 = arith.constant 0 : index
    %get3A_45 = vector.load %arg7[%get3A_43, %get3A_44] : memref<64x128xf32, #tpu.memory_space<vmem>>, vector<64x128xf32>
    %dot_general3A = arith.constant dense<0.000000e+00> : vector<64x128xf32>
    %dot_general3A_46 = tpu.matmul %convert_element_type3A_42, %max3A_35, %dot_general3A {dimension_numbers = #tpu.dot_dimension_numbers<[0], [0], [1], [1], [0, 1, 1, 1], [], []>, transpose_lhs_hint = false} : vector<1000x64xf32>, vector<1000x128xf32>, vector<64x128xf32> -> vector<64x128xf32>
    %add3A_47 = arith.addf %get3A_45, %dot_general3A_46 : vector<64x128xf32>
    %swap3A = arith.constant 0 : index
    %swap3A_48 = arith.constant 0 : index
    %swap3A_49 = vector.load %arg7[%swap3A, %swap3A_48] : memref<64x128xf32, #tpu.memory_space<vmem>>, vector<64x128xf32>
    tpu.vector_store %arg7[%swap3A, %swap3A_48], %add3A_47 {strides = array<i32>} : memref<64x128xf32, #tpu.memory_space<vmem>>, vector<64x128xf32>,
    %get3A_50 = arith.constant 0 : index
    %get3A_51 = arith.constant 0 : index
    %get3A_52 = vector.load %arg8[%get3A_50, %get3A_51] : memref<64x128xf32, #tpu.memory_space<vmem>>, vector<64x128xf32>
    %broadcast_in_dim3A = arith.constant 1.000000e+00 : f32
    %broadcast_in_dim3A_53 = vector.broadcast %broadcast_in_dim3A : f32 to vector<1000x128xf32>
    %dot_general3A_54 = arith.constant dense<0.000000e+00> : vector<64x128xf32>
    %dot_general3A_55 = tpu.matmul %convert_element_type3A_42, %broadcast_in_dim3A_53, %dot_general3A_54 {dimension_numbers = #tpu.dot_dimension_numbers<[0], [0], [1], [1], [0, 1, 1, 1], [], []>, transpose_lhs_hint = false} : vector<1000x64xf32>, vector<1000x128xf32>, vector<64x128xf32> -> vector<64x128xf32>
    %add3A_56 = arith.addf %get3A_52, %dot_general3A_55 : vector<64x128xf32>
    %swap3A_57 = arith.constant 0 : index
    %swap3A_58 = arith.constant 0 : index
    %swap3A_59 = vector.load %arg8[%swap3A_57, %swap3A_58] : memref<64x128xf32, #tpu.memory_space<vmem>>, vector<64x128xf32>
    tpu.vector_store %arg8[%swap3A_57, %swap3A_58], %add3A_56 {strides = array<i32>} : memref<64x128xf32, #tpu.memory_space<vmem>>, vector<64x128xf32>,
    %eq3A_60 = arith.constant 0 : i32
    %eq3A_61 = vector.broadcast %eq3A_60 : i32 to vector<1000x1xi32>
    %eq3A_62 = arith.cmpi eq, %get3A_38, %eq3A_61 : vector<1000x1xi32>
    %jit3A = arith.constant 0xFF800000 : f32
    %broadcast_in_dim3A_63 = vector.shape_cast %eq3A_62 : vector<1000x1xi1> to vector<1000x1xi1>
    %broadcast_in_dim3A_64 = vector.broadcast %broadcast_in_dim3A_63 : vector<1000x1xi1> to vector<1000x128xi1>
    %broadcast_in_dim3A_65 = vector.broadcast %jit3A : f32 to vector<1000x128xf32>
    %select_n3A = arith.select %broadcast_in_dim3A_64, %max3A_35, %broadcast_in_dim3A_65 : vector<1000x128xi1>, vector<1000x128xf32>
    %reduce_max3A = arith.constant dense<0xFF800000> : vector<128xf32>
    %reduce_max3A_66 = vector.multi_reduction <maximumf>, %select_n3A, %reduce_max3A [0] : vector<1000x128xf32> to vector<128xf32>
    %broadcast_in_dim3A_67 = vector.shape_cast %reduce_max3A_66 : vector<128xf32> to vector<1x128xf32>
    %get3A_68 = arith.constant 0 : index
    %get3A_69 = arith.constant 0 : index
    %get3A_70 = vector.load %arg6[%get3A_68, %get3A_69] : memref<64x128xf32, #tpu.memory_space<vmem>>, vector<1x128xf32>
    %max3A_71 = arith.maximumf %get3A_70, %broadcast_in_dim3A_67 : vector<1x128xf32>
    %swap3A_72 = arith.constant 0 : index
    %swap3A_73 = arith.constant 0 : index
    %swap3A_74 = vector.load %arg6[%swap3A_72, %swap3A_73] : memref<64x128xf32, #tpu.memory_space<vmem>>, vector<1x128xf32>
    tpu.vector_store %arg6[%swap3A_72, %swap3A_73], %max3A_71 {strides = array<i32>} : memref<64x128xf32, #tpu.memory_space<vmem>>, vector<1x128xf32>,
    %eq3A_75 = arith.constant 1 : i32
    %eq3A_76 = vector.broadcast %eq3A_75 : i32 to vector<1000x1xi32>
    %eq3A_77 = arith.cmpi eq, %get3A_38, %eq3A_76 : vector<1000x1xi32>
    %jit3A_78 = arith.constant 0xFF800000 : f32
    %broadcast_in_dim3A_79 = vector.shape_cast %eq3A_77 : vector<1000x1xi1> to vector<1000x1xi1>
    %broadcast_in_dim3A_80 = vector.broadcast %broadcast_in_dim3A_79 : vector<1000x1xi1> to vector<1000x128xi1>
    %broadcast_in_dim3A_81 = vector.broadcast %jit3A_78 : f32 to vector<1000x128xf32>
    %select_n3A_82 = arith.select %broadcast_in_dim3A_80, %max3A_35, %broadcast_in_dim3A_81 : vector<1000x128xi1>, vector<1000x128xf32>
    %reduce_max3A_83 = arith.constant dense<0xFF800000> : vector<128xf32>
    %reduce_max3A_84 = vector.multi_reduction <maximumf>, %select_n3A_82, %reduce_max3A_83 [0] : vector<1000x128xf32> to vector<128xf32>
    %broadcast_in_dim3A_85 = vector.shape_cast %reduce_max3A_84 : vector<128xf32> to vector<1x128xf32>
    %get3A_86 = arith.constant 1 : index
    %get3A_87 = arith.constant 0 : index
    %get3A_88 = vector.load %arg6[%get3A_86, %get3A_87] : memref<64x128xf32, #tpu.memory_space<vmem>>, vector<1x128xf32>
    %max3A_89 = arith.maximumf %get3A_88, %broadcast_in_dim3A_85 : vector<1x128xf32>
    %swap3A_90 = arith.constant 1 : index
    %swap3A_91 = arith.constant 0 : index
    %swap3A_92 = vector.load %arg6[%swap3A_90, %swap3A_91] : memref<64x128xf32, #tpu.memory_space<vmem>>, vector<1x128xf32>
    tpu.vector_store %arg6[%swap3A_90, %swap3A_91], %max3A_89 {strides = array<i32>} : memref<64x128xf32, #tpu.memory_space<vmem>>, vector<1x128xf32>,
    %eq3A_93 = arith.constant 2 : i32
    %eq3A_94 = vector.broadcast %eq3A_93 : i32 to vector<1000x1xi32>
    %eq3A_95 = arith.cmpi eq, %get3A_38, %eq3A_94 : vector<1000x1xi32>
    %jit3A_96 = arith.constant 0xFF800000 : f32
    %broadcast_in_dim3A_97 = vector.shape_cast %eq3A_95 : vector<1000x1xi1> to vector<1000x1xi1>
    %broadcast_in_dim3A_98 = vector.broadcast %broadcast_in_dim3A_97 : vector<1000x1xi1> to vector<1000x128xi1>
    %broadcast_in_dim3A_99 = vector.broadcast %jit3A_96 : f32 to vector<1000x128xf32>
    %select_n3A_100 = arith.select %broadcast_in_dim3A_98, %max3A_35, %broadcast_in_dim3A_99 : vector<1000x128xi1>, vector<1000x128xf32>
    %reduce_max3A_101 = arith.constant dense<0xFF800000> : vector<128xf32>
    %reduce_max3A_102 = vector.multi_reduction <maximumf>, %select_n3A_100, %reduce_max3A_101 [0] : vector<1000x128xf32> to vector<128xf32>
    %broadcast_in_dim3A_103 = vector.shape_cast %reduce_max3A_102 : vector<128xf32> to vector<1x128xf32>
    %get3A_104 = arith.constant 2 : index
    %get3A_105 = arith.constant 0 : index
    %get3A_106 = vector.load %arg6[%get3A_104, %get3A_105] : memref<64x128xf32, #tpu.memory_space<vmem>>, vector<1x128xf32>
    %max3A_107 = arith.maximumf %get3A_106, %broadcast_in_dim3A_103 : vector<1x128xf32>
    %swap3A_108 = arith.constant 2 : index
    %swap3A_109 = arith.constant 0 : index
    %swap3A_110 = vector.load %arg6[%swap3A_108, %swap3A_109] : memref<64x128xf32, #tpu.memory_space<vmem>>, vector<1x128xf32>
    tpu.vector_store %arg6[%swap3A_108, %swap3A_109], %max3A_107 {strides = array<i32>} : memref<64x128xf32, #tpu.memory_space<vmem>>, vector<1x128xf32>,
    %eq3A_111 = arith.constant 3 : i32
    %eq3A_112 = vector.broadcast %eq3A_111 : i32 to vector<1000x1xi32>
    %eq3A_113 = arith.cmpi eq, %get3A_38, %eq3A_112 : vector<1000x1xi32>
    %jit3A_114 = arith.constant 0xFF800000 : f32
    %broadcast_in_dim3A_115 = vector.shape_cast %eq3A_113 : vector<1000x1xi1> to vector<1000x1xi1>
    %broadcast_in_dim3A_116 = vector.broadcast %broadcast_in_dim3A_115 : vector<1000x1xi1> to vector<1000x128xi1>
    %broadcast_in_dim3A_117 = vector.broadcast %jit3A_114 : f32 to vector<1000x128xf32>
    %select_n3A_118 = arith.select %broadcast_in_dim3A_116, %max3A_35, %broadcast_in_dim3A_117 : vector<1000x128xi1>, vector<1000x128xf32>
    %reduce_max3A_119 = arith.constant dense<0xFF800000> : vector<128xf32>
    %reduce_max3A_120 = vector.multi_reduction <maximumf>, %select_n3A_118, %reduce_max3A_119 [0] : vector<1000x128xf32> to vector<128xf32>
    %broadcast_in_dim3A_121 = vector.shape_cast %reduce_max3A_120 : vector<128xf32> to vector<1x128xf32>
    %get3A_122 = arith.constant 3 : index
    %get3A_123 = arith.constant 0 : index
    %get3A_124 = vector.load %arg6[%get3A_122, %get3A_123] : memref<64x128xf32, #tpu.memory_space<vmem>>, vector<1x128xf32>
    %max3A_125 = arith.maximumf %get3A_124, %broadcast_in_dim3A_121 : vector<1x128xf32>
    %swap3A_126 = arith.constant 3 : index
    %swap3A_127 = arith.constant 0 : index
    %swap3A_128 = vector.load %arg6[%swap3A_126, %swap3A_127] : memref<64x128xf32, #tpu.memory_space<vmem>>, vector<1x128xf32>
    tpu.vector_store %arg6[%swap3A_126, %swap3A_127], %max3A_125 {strides = array<i32>} : memref<64x128xf32, #tpu.memory_space<vmem>>, vector<1x128xf32>,
    %eq3A_129 = arith.constant 4 : i32
    %eq3A_130 = vector.broadcast %eq3A_129 : i32 to vector<1000x1xi32>
    %eq3A_131 = arith.cmpi eq, %get3A_38, %eq3A_130 : vector<1000x1xi32>
    %jit3A_132 = arith.constant 0xFF800000 : f32
    %broadcast_in_dim3A_133 = vector.shape_cast %eq3A_131 : vector<1000x1xi1> to vector<1000x1xi1>
    %broadcast_in_dim3A_134 = vector.broadcast %broadcast_in_dim3A_133 : vector<1000x1xi1> to vector<1000x128xi1>
    %broadcast_in_dim3A_135 = vector.broadcast %jit3A_132 : f32 to vector<1000x128xf32>
    %select_n3A_136 = arith.select %broadcast_in_dim3A_134, %max3A_35, %broadcast_in_dim3A_135 : vector<1000x128xi1>, vector<1000x128xf32>
    %reduce_max3A_137 = arith.constant dense<0xFF800000> : vector<128xf32>
    %reduce_max3A_138 = vector.multi_reduction <maximumf>, %select_n3A_136, %reduce_max3A_137 [0] : vector<1000x128xf32> to vector<128xf32>
    %broadcast_in_dim3A_139 = vector.shape_cast %reduce_max3A_138 : vector<128xf32> to vector<1x128xf32>
    %get3A_140 = arith.constant 4 : index
    %get3A_141 = arith.constant 0 : index
    %get3A_142 = vector.load %arg6[%get3A_140, %get3A_141] : memref<64x128xf32, #tpu.memory_space<vmem>>, vector<1x128xf32>
    %max3A_143 = arith.maximumf %get3A_142, %broadcast_in_dim3A_139 : vector<1x128xf32>
    %swap3A_144 = arith.constant 4 : index
    %swap3A_145 = arith.constant 0 : index
    %swap3A_146 = vector.load %arg6[%swap3A_144, %swap3A_145] : memref<64x128xf32, #tpu.memory_space<vmem>>, vector<1x128xf32>
    tpu.vector_store %arg6[%swap3A_144, %swap3A_145], %max3A_143 {strides = array<i32>} : memref<64x128xf32, #tpu.memory_space<vmem>>, vector<1x128xf32>,
    %eq3A_147 = arith.constant 5 : i32
    %eq3A_148 = vector.broadcast %eq3A_147 : i32 to vector<1000x1xi32>
    %eq3A_149 = arith.cmpi eq, %get3A_38, %eq3A_148 : vector<1000x1xi32>
    %jit3A_150 = arith.constant 0xFF800000 : f32
    %broadcast_in_dim3A_151 = vector.shape_cast %eq3A_149 : vector<1000x1xi1> to vector<1000x1xi1>
    %broadcast_in_dim3A_152 = vector.broadcast %broadcast_in_dim3A_151 : vector<1000x1xi1> to vector<1000x128xi1>
    %broadcast_in_dim3A_153 = vector.broadcast %jit3A_150 : f32 to vector<1000x128xf32>
    %select_n3A_154 = arith.select %broadcast_in_dim3A_152, %max3A_35, %broadcast_in_dim3A_153 : vector<1000x128xi1>, vector<1000x128xf32>
    %reduce_max3A_155 = arith.constant dense<0xFF800000> : vector<128xf32>
    %reduce_max3A_156 = vector.multi_reduction <maximumf>, %select_n3A_154, %reduce_max3A_155 [0] : vector<1000x128xf32> to vector<128xf32>
    %broadcast_in_dim3A_157 = vector.shape_cast %reduce_max3A_156 : vector<128xf32> to vector<1x128xf32>
    %get3A_158 = arith.constant 5 : index
    %get3A_159 = arith.constant 0 : index
    %get3A_160 = vector.load %arg6[%get3A_158, %get3A_159] : memref<64x128xf32, #tpu.memory_space<vmem>>, vector<1x128xf32>
    %max3A_161 = arith.maximumf %get3A_160, %broadcast_in_dim3A_157 : vector<1x128xf32>
    %swap3A_162 = arith.constant 5 : index
    %swap3A_163 = arith.constant 0 : index
    %swap3A_164 = vector.load %arg6[%swap3A_162, %swap3A_163] : memref<64x128xf32, #tpu.memory_space<vmem>>, vector<1x128xf32>
    tpu.vector_store %arg6[%swap3A_162, %swap3A_163], %max3A_161 {strides = array<i32>} : memref<64x128xf32, #tpu.memory_space<vmem>>, vector<1x128xf32>,
    %eq3A_165 = arith.constant 6 : i32
    %eq3A_166 = vector.broadcast %eq3A_165 : i32 to vector<1000x1xi32>
    %eq3A_167 = arith.cmpi eq, %get3A_38, %eq3A_166 : vector<1000x1xi32>
    %jit3A_168 = arith.constant 0xFF800000 : f32
    %broadcast_in_dim3A_169 = vector.shape_cast %eq3A_167 : vector<1000x1xi1> to vector<1000x1xi1>
    %broadcast_in_dim3A_170 = vector.broadcast %broadcast_in_dim3A_169 : vector<1000x1xi1> to vector<1000x128xi1>
    %broadcast_in_dim3A_171 = vector.broadcast %jit3A_168 : f32 to vector<1000x128xf32>
    %select_n3A_172 = arith.select %broadcast_in_dim3A_170, %max3A_35, %broadcast_in_dim3A_171 : vector<1000x128xi1>, vector<1000x128xf32>
    %reduce_max3A_173 = arith.constant dense<0xFF800000> : vector<128xf32>
    %reduce_max3A_174 = vector.multi_reduction <maximumf>, %select_n3A_172, %reduce_max3A_173 [0] : vector<1000x128xf32> to vector<128xf32>
    %broadcast_in_dim3A_175 = vector.shape_cast %reduce_max3A_174 : vector<128xf32> to vector<1x128xf32>
    %get3A_176 = arith.constant 6 : index
    %get3A_177 = arith.constant 0 : index
    %get3A_178 = vector.load %arg6[%get3A_176, %get3A_177] : memref<64x128xf32, #tpu.memory_space<vmem>>, vector<1x128xf32>
    %max3A_179 = arith.maximumf %get3A_178, %broadcast_in_dim3A_175 : vector<1x128xf32>
    %swap3A_180 = arith.constant 6 : index
    %swap3A_181 = arith.constant 0 : index
    %swap3A_182 = vector.load %arg6[%swap3A_180, %swap3A_181] : memref<64x128xf32, #tpu.memory_space<vmem>>, vector<1x128xf32>
    tpu.vector_store %arg6[%swap3A_180, %swap3A_181], %max3A_179 {strides = array<i32>} : memref<64x128xf32, #tpu.memory_space<vmem>>, vector<1x128xf32>,
    %eq3A_183 = arith.constant 7 : i32
    %eq3A_184 = vector.broadcast %eq3A_183 : i32 to vector<1000x1xi32>
    %eq3A_185 = arith.cmpi eq, %get3A_38, %eq3A_184 : vector<1000x1xi32>
    %jit3A_186 = arith.constant 0xFF800000 : f32
    %broadcast_in_dim3A_187 = vector.shape_cast %eq3A_185 : vector<1000x1xi1> to vector<1000x1xi1>
    %broadcast_in_dim3A_188 = vector.broadcast %broadcast_in_dim3A_187 : vector<1000x1xi1> to vector<1000x128xi1>
    %broadcast_in_dim3A_189 = vector.broadcast %jit3A_186 : f32 to vector<1000x128xf32>
    %select_n3A_190 = arith.select %broadcast_in_dim3A_188, %max3A_35, %broadcast_in_dim3A_189 : vector<1000x128xi1>, vector<1000x128xf32>
    %reduce_max3A_191 = arith.constant dense<0xFF800000> : vector<128xf32>
    %reduce_max3A_192 = vector.multi_reduction <maximumf>, %select_n3A_190, %reduce_max3A_191 [0] : vector<1000x128xf32> to vector<128xf32>
    %broadcast_in_dim3A_193 = vector.shape_cast %reduce_max3A_192 : vector<128xf32> to vector<1x128xf32>
    %get3A_194 = arith.constant 7 : index
    %get3A_195 = arith.constant 0 : index
    %get3A_196 = vector.load %arg6[%get3A_194, %get3A_195] : memref<64x128xf32, #tpu.memory_space<vmem>>, vector<1x128xf32>
    %max3A_197 = arith.maximumf %get3A_196, %broadcast_in_dim3A_193 : vector<1x128xf32>
    %swap3A_198 = arith.constant 7 : index
    %swap3A_199 = arith.constant 0 : index
    %swap3A_200 = vector.load %arg6[%swap3A_198, %swap3A_199] : memref<64x128xf32, #tpu.memory_space<vmem>>, vector<1x128xf32>
    tpu.vector_store %arg6[%swap3A_198, %swap3A_199], %max3A_197 {strides = array<i32>} : memref<64x128xf32, #tpu.memory_space<vmem>>, vector<1x128xf32>,
    %eq3A_201 = arith.constant 8 : i32
    %eq3A_202 = vector.broadcast %eq3A_201 : i32 to vector<1000x1xi32>
    %eq3A_203 = arith.cmpi eq, %get3A_38, %eq3A_202 : vector<1000x1xi32>
    %jit3A_204 = arith.constant 0xFF800000 : f32
    %broadcast_in_dim3A_205 = vector.shape_cast %eq3A_203 : vector<1000x1xi1> to vector<1000x1xi1>
    %broadcast_in_dim3A_206 = vector.broadcast %broadcast_in_dim3A_205 : vector<1000x1xi1> to vector<1000x128xi1>
    %broadcast_in_dim3A_207 = vector.broadcast %jit3A_204 : f32 to vector<1000x128xf32>
    %select_n3A_208 = arith.select %broadcast_in_dim3A_206, %max3A_35, %broadcast_in_dim3A_207 : vector<1000x128xi1>, vector<1000x128xf32>
    %reduce_max3A_209 = arith.constant dense<0xFF800000> : vector<128xf32>
    %reduce_max3A_210 = vector.multi_reduction <maximumf>, %select_n3A_208, %reduce_max3A_209 [0] : vector<1000x128xf32> to vector<128xf32>
    %broadcast_in_dim3A_211 = vector.shape_cast %reduce_max3A_210 : vector<128xf32> to vector<1x128xf32>
    %get3A_212 = arith.constant 8 : index
    %get3A_213 = arith.constant 0 : index
    %get3A_214 = vector.load %arg6[%get3A_212, %get3A_213] : memref<64x128xf32, #tpu.memory_space<vmem>>, vector<1x128xf32>
    %max3A_215 = arith.maximumf %get3A_214, %broadcast_in_dim3A_211 : vector<1x128xf32>
    %swap3A_216 = arith.constant 8 : index
    %swap3A_217 = arith.constant 0 : index
    %swap3A_218 = vector.load %arg6[%swap3A_216, %swap3A_217] : memref<64x128xf32, #tpu.memory_space<vmem>>, vector<1x128xf32>
    tpu.vector_store %arg6[%swap3A_216, %swap3A_217], %max3A_215 {strides = array<i32>} : memref<64x128xf32, #tpu.memory_space<vmem>>, vector<1x128xf32>,
    %eq3A_219 = arith.constant 9 : i32
    %eq3A_220 = vector.broadcast %eq3A_219 : i32 to vector<1000x1xi32>
    %eq3A_221 = arith.cmpi eq, %get3A_38, %eq3A_220 : vector<1000x1xi32>
    %jit3A_222 = arith.constant 0xFF800000 : f32
    %broadcast_in_dim3A_223 = vector.shape_cast %eq3A_221 : vector<1000x1xi1> to vector<1000x1xi1>
    %broadcast_in_dim3A_224 = vector.broadcast %broadcast_in_dim3A_223 : vector<1000x1xi1> to vector<1000x128xi1>
    %broadcast_in_dim3A_225 = vector.broadcast %jit3A_222 : f32 to vector<1000x128xf32>
    %select_n3A_226 = arith.select %broadcast_in_dim3A_224, %max3A_35, %broadcast_in_dim3A_225 : vector<1000x128xi1>, vector<1000x128xf32>
    %reduce_max3A_227 = arith.constant dense<0xFF800000> : vector<128xf32>
    %reduce_max3A_228 = vector.multi_reduction <maximumf>, %select_n3A_226, %reduce_max3A_227 [0] : vector<1000x128xf32> to vector<128xf32>
    %broadcast_in_dim3A_229 = vector.shape_cast %reduce_max3A_228 : vector<128xf32> to vector<1x128xf32>
    %get3A_230 = arith.constant 9 : index
    %get3A_231 = arith.constant 0 : index
    %get3A_232 = vector.load %arg6[%get3A_230, %get3A_231] : memref<64x128xf32, #tpu.memory_space<vmem>>, vector<1x128xf32>
    %max3A_233 = arith.maximumf %get3A_232, %broadcast_in_dim3A_229 : vector<1x128xf32>
    %swap3A_234 = arith.constant 9 : index
    %swap3A_235 = arith.constant 0 : index
    %swap3A_236 = vector.load %arg6[%swap3A_234, %swap3A_235] : memref<64x128xf32, #tpu.memory_space<vmem>>, vector<1x128xf32>
    tpu.vector_store %arg6[%swap3A_234, %swap3A_235], %max3A_233 {strides = array<i32>} : memref<64x128xf32, #tpu.memory_space<vmem>>, vector<1x128xf32>,
    %eq3A_237 = arith.constant 10 : i32
    %eq3A_238 = vector.broadcast %eq3A_237 : i32 to vector<1000x1xi32>
    %eq3A_239 = arith.cmpi eq, %get3A_38, %eq3A_238 : vector<1000x1xi32>
    %jit3A_240 = arith.constant 0xFF800000 : f32
    %broadcast_in_dim3A_241 = vector.shape_cast %eq3A_239 : vector<1000x1xi1> to vector<1000x1xi1>
    %broadcast_in_dim3A_242 = vector.broadcast %broadcast_in_dim3A_241 : vector<1000x1xi1> to vector<1000x128xi1>
    %broadcast_in_dim3A_243 = vector.broadcast %jit3A_240 : f32 to vector<1000x128xf32>
    %select_n3A_244 = arith.select %broadcast_in_dim3A_242, %max3A_35, %broadcast_in_dim3A_243 : vector<1000x128xi1>, vector<1000x128xf32>
    %reduce_max3A_245 = arith.constant dense<0xFF800000> : vector<128xf32>
    %reduce_max3A_246 = vector.multi_reduction <maximumf>, %select_n3A_244, %reduce_max3A_245 [0] : vector<1000x128xf32> to vector<128xf32>
    %broadcast_in_dim3A_247 = vector.shape_cast %reduce_max3A_246 : vector<128xf32> to vector<1x128xf32>
    %get3A_248 = arith.constant 10 : index
    %get3A_249 = arith.constant 0 : index
    %get3A_250 = vector.load %arg6[%get3A_248, %get3A_249] : memref<64x128xf32, #tpu.memory_space<vmem>>, vector<1x128xf32>
    %max3A_251 = arith.maximumf %get3A_250, %broadcast_in_dim3A_247 : vector<1x128xf32>
    %swap3A_252 = arith.constant 10 : index
    %swap3A_253 = arith.constant 0 : index
    %swap3A_254 = vector.load %arg6[%swap3A_252, %swap3A_253] : memref<64x128xf32, #tpu.memory_space<vmem>>, vector<1x128xf32>
    tpu.vector_store %arg6[%swap3A_252, %swap3A_253], %max3A_251 {strides = array<i32>} : memref<64x128xf32, #tpu.memory_space<vmem>>, vector<1x128xf32>,
    %eq3A_255 = arith.constant 11 : i32
    %eq3A_256 = vector.broadcast %eq3A_255 : i32 to vector<1000x1xi32>
    %eq3A_257 = arith.cmpi eq, %get3A_38, %eq3A_256 : vector<1000x1xi32>
    %jit3A_258 = arith.constant 0xFF800000 : f32
    %broadcast_in_dim3A_259 = vector.shape_cast %eq3A_257 : vector<1000x1xi1> to vector<1000x1xi1>
    %broadcast_in_dim3A_260 = vector.broadcast %broadcast_in_dim3A_259 : vector<1000x1xi1> to vector<1000x128xi1>
    %broadcast_in_dim3A_261 = vector.broadcast %jit3A_258 : f32 to vector<1000x128xf32>
    %select_n3A_262 = arith.select %broadcast_in_dim3A_260, %max3A_35, %broadcast_in_dim3A_261 : vector<1000x128xi1>, vector<1000x128xf32>
    %reduce_max3A_263 = arith.constant dense<0xFF800000> : vector<128xf32>
    %reduce_max3A_264 = vector.multi_reduction <maximumf>, %select_n3A_262, %reduce_max3A_263 [0] : vector<1000x128xf32> to vector<128xf32>
    %broadcast_in_dim3A_265 = vector.shape_cast %reduce_max3A_264 : vector<128xf32> to vector<1x128xf32>
    %get3A_266 = arith.constant 11 : index
    %get3A_267 = arith.constant 0 : index
    %get3A_268 = vector.load %arg6[%get3A_266, %get3A_267] : memref<64x128xf32, #tpu.memory_space<vmem>>, vector<1x128xf32>
    %max3A_269 = arith.maximumf %get3A_268, %broadcast_in_dim3A_265 : vector<1x128xf32>
    %swap3A_270 = arith.constant 11 : index
    %swap3A_271 = arith.constant 0 : index
    %swap3A_272 = vector.load %arg6[%swap3A_270, %swap3A_271] : memref<64x128xf32, #tpu.memory_space<vmem>>, vector<1x128xf32>
    tpu.vector_store %arg6[%swap3A_270, %swap3A_271], %max3A_269 {strides = array<i32>} : memref<64x128xf32, #tpu.memory_space<vmem>>, vector<1x128xf32>,
    %eq3A_273 = arith.constant 12 : i32
    %eq3A_274 = vector.broadcast %eq3A_273 : i32 to vector<1000x1xi32>
    %eq3A_275 = arith.cmpi eq, %get3A_38, %eq3A_274 : vector<1000x1xi32>
    %jit3A_276 = arith.constant 0xFF800000 : f32
    %broadcast_in_dim3A_277 = vector.shape_cast %eq3A_275 : vector<1000x1xi1> to vector<1000x1xi1>
    %broadcast_in_dim3A_278 = vector.broadcast %broadcast_in_dim3A_277 : vector<1000x1xi1> to vector<1000x128xi1>
    %broadcast_in_dim3A_279 = vector.broadcast %jit3A_276 : f32 to vector<1000x128xf32>
    %select_n3A_280 = arith.select %broadcast_in_dim3A_278, %max3A_35, %broadcast_in_dim3A_279 : vector<1000x128xi1>, vector<1000x128xf32>
    %reduce_max3A_281 = arith.constant dense<0xFF800000> : vector<128xf32>
    %reduce_max3A_282 = vector.multi_reduction <maximumf>, %select_n3A_280, %reduce_max3A_281 [0] : vector<1000x128xf32> to vector<128xf32>
    %broadcast_in_dim3A_283 = vector.shape_cast %reduce_max3A_282 : vector<128xf32> to vector<1x128xf32>
    %get3A_284 = arith.constant 12 : index
    %get3A_285 = arith.constant 0 : index
    %get3A_286 = vector.load %arg6[%get3A_284, %get3A_285] : memref<64x128xf32, #tpu.memory_space<vmem>>, vector<1x128xf32>
    %max3A_287 = arith.maximumf %get3A_286, %broadcast_in_dim3A_283 : vector<1x128xf32>
    %swap3A_288 = arith.constant 12 : index
    %swap3A_289 = arith.constant 0 : index
    %swap3A_290 = vector.load %arg6[%swap3A_288, %swap3A_289] : memref<64x128xf32, #tpu.memory_space<vmem>>, vector<1x128xf32>
    tpu.vector_store %arg6[%swap3A_288, %swap3A_289], %max3A_287 {strides = array<i32>} : memref<64x128xf32, #tpu.memory_space<vmem>>, vector<1x128xf32>,
    %eq3A_291 = arith.constant 13 : i32
    %eq3A_292 = vector.broadcast %eq3A_291 : i32 to vector<1000x1xi32>
    %eq3A_293 = arith.cmpi eq, %get3A_38, %eq3A_292 : vector<1000x1xi32>
    %jit3A_294 = arith.constant 0xFF800000 : f32
    %broadcast_in_dim3A_295 = vector.shape_cast %eq3A_293 : vector<1000x1xi1> to vector<1000x1xi1>
    %broadcast_in_dim3A_296 = vector.broadcast %broadcast_in_dim3A_295 : vector<1000x1xi1> to vector<1000x128xi1>
    %broadcast_in_dim3A_297 = vector.broadcast %jit3A_294 : f32 to vector<1000x128xf32>
    %select_n3A_298 = arith.select %broadcast_in_dim3A_296, %max3A_35, %broadcast_in_dim3A_297 : vector<1000x128xi1>, vector<1000x128xf32>
    %reduce_max3A_299 = arith.constant dense<0xFF800000> : vector<128xf32>
    %reduce_max3A_300 = vector.multi_reduction <maximumf>, %select_n3A_298, %reduce_max3A_299 [0] : vector<1000x128xf32> to vector<128xf32>
    %broadcast_in_dim3A_301 = vector.shape_cast %reduce_max3A_300 : vector<128xf32> to vector<1x128xf32>
    %get3A_302 = arith.constant 13 : index
    %get3A_303 = arith.constant 0 : index
    %get3A_304 = vector.load %arg6[%get3A_302, %get3A_303] : memref<64x128xf32, #tpu.memory_space<vmem>>, vector<1x128xf32>
    %max3A_305 = arith.maximumf %get3A_304, %broadcast_in_dim3A_301 : vector<1x128xf32>
    %swap3A_306 = arith.constant 13 : index
    %swap3A_307 = arith.constant 0 : index
    %swap3A_308 = vector.load %arg6[%swap3A_306, %swap3A_307] : memref<64x128xf32, #tpu.memory_space<vmem>>, vector<1x128xf32>
    tpu.vector_store %arg6[%swap3A_306, %swap3A_307], %max3A_305 {strides = array<i32>} : memref<64x128xf32, #tpu.memory_space<vmem>>, vector<1x128xf32>,
    %eq3A_309 = arith.constant 14 : i32
    %eq3A_310 = vector.broadcast %eq3A_309 : i32 to vector<1000x1xi32>
    %eq3A_311 = arith.cmpi eq, %get3A_38, %eq3A_310 : vector<1000x1xi32>
    %jit3A_312 = arith.constant 0xFF800000 : f32
    %broadcast_in_dim3A_313 = vector.shape_cast %eq3A_311 : vector<1000x1xi1> to vector<1000x1xi1>
    %broadcast_in_dim3A_314 = vector.broadcast %broadcast_in_dim3A_313 : vector<1000x1xi1> to vector<1000x128xi1>
    %broadcast_in_dim3A_315 = vector.broadcast %jit3A_312 : f32 to vector<1000x128xf32>
    %select_n3A_316 = arith.select %broadcast_in_dim3A_314, %max3A_35, %broadcast_in_dim3A_315 : vector<1000x128xi1>, vector<1000x128xf32>
    %reduce_max3A_317 = arith.constant dense<0xFF800000> : vector<128xf32>
    %reduce_max3A_318 = vector.multi_reduction <maximumf>, %select_n3A_316, %reduce_max3A_317 [0] : vector<1000x128xf32> to vector<128xf32>
    %broadcast_in_dim3A_319 = vector.shape_cast %reduce_max3A_318 : vector<128xf32> to vector<1x128xf32>
    %get3A_320 = arith.constant 14 : index
    %get3A_321 = arith.constant 0 : index
    %get3A_322 = vector.load %arg6[%get3A_320, %get3A_321] : memref<64x128xf32, #tpu.memory_space<vmem>>, vector<1x128xf32>
    %max3A_323 = arith.maximumf %get3A_322, %broadcast_in_dim3A_319 : vector<1x128xf32>
    %swap3A_324 = arith.constant 14 : index
    %swap3A_325 = arith.constant 0 : index
    %swap3A_326 = vector.load %arg6[%swap3A_324, %swap3A_325] : memref<64x128xf32, #tpu.memory_space<vmem>>, vector<1x128xf32>
    tpu.vector_store %arg6[%swap3A_324, %swap3A_325], %max3A_323 {strides = array<i32>} : memref<64x128xf32, #tpu.memory_space<vmem>>, vector<1x128xf32>,
    %eq3A_327 = arith.constant 15 : i32
    %eq3A_328 = vector.broadcast %eq3A_327 : i32 to vector<1000x1xi32>
    %eq3A_329 = arith.cmpi eq, %get3A_38, %eq3A_328 : vector<1000x1xi32>
    %jit3A_330 = arith.constant 0xFF800000 : f32
    %broadcast_in_dim3A_331 = vector.shape_cast %eq3A_329 : vector<1000x1xi1> to vector<1000x1xi1>
    %broadcast_in_dim3A_332 = vector.broadcast %broadcast_in_dim3A_331 : vector<1000x1xi1> to vector<1000x128xi1>
    %broadcast_in_dim3A_333 = vector.broadcast %jit3A_330 : f32 to vector<1000x128xf32>
    %select_n3A_334 = arith.select %broadcast_in_dim3A_332, %max3A_35, %broadcast_in_dim3A_333 : vector<1000x128xi1>, vector<1000x128xf32>
    %reduce_max3A_335 = arith.constant dense<0xFF800000> : vector<128xf32>
    %reduce_max3A_336 = vector.multi_reduction <maximumf>, %select_n3A_334, %reduce_max3A_335 [0] : vector<1000x128xf32> to vector<128xf32>
    %broadcast_in_dim3A_337 = vector.shape_cast %reduce_max3A_336 : vector<128xf32> to vector<1x128xf32>
    %get3A_338 = arith.constant 15 : index
    %get3A_339 = arith.constant 0 : index
    %get3A_340 = vector.load %arg6[%get3A_338, %get3A_339] : memref<64x128xf32, #tpu.memory_space<vmem>>, vector<1x128xf32>
    %max3A_341 = arith.maximumf %get3A_340, %broadcast_in_dim3A_337 : vector<1x128xf32>
    %swap3A_342 = arith.constant 15 : index
    %swap3A_343 = arith.constant 0 : index
    %swap3A_344 = vector.load %arg6[%swap3A_342, %swap3A_343] : memref<64x128xf32, #tpu.memory_space<vmem>>, vector<1x128xf32>
    tpu.vector_store %arg6[%swap3A_342, %swap3A_343], %max3A_341 {strides = array<i32>} : memref<64x128xf32, #tpu.memory_space<vmem>>, vector<1x128xf32>,
    %eq3A_345 = arith.constant 16 : i32
    %eq3A_346 = vector.broadcast %eq3A_345 : i32 to vector<1000x1xi32>
    %eq3A_347 = arith.cmpi eq, %get3A_38, %eq3A_346 : vector<1000x1xi32>
    %jit3A_348 = arith.constant 0xFF800000 : f32
    %broadcast_in_dim3A_349 = vector.shape_cast %eq3A_347 : vector<1000x1xi1> to vector<1000x1xi1>
    %broadcast_in_dim3A_350 = vector.broadcast %broadcast_in_dim3A_349 : vector<1000x1xi1> to vector<1000x128xi1>
    %broadcast_in_dim3A_351 = vector.broadcast %jit3A_348 : f32 to vector<1000x128xf32>
    %select_n3A_352 = arith.select %broadcast_in_dim3A_350, %max3A_35, %broadcast_in_dim3A_351 : vector<1000x128xi1>, vector<1000x128xf32>
    %reduce_max3A_353 = arith.constant dense<0xFF800000> : vector<128xf32>
    %reduce_max3A_354 = vector.multi_reduction <maximumf>, %select_n3A_352, %reduce_max3A_353 [0] : vector<1000x128xf32> to vector<128xf32>
    %broadcast_in_dim3A_355 = vector.shape_cast %reduce_max3A_354 : vector<128xf32> to vector<1x128xf32>
    %get3A_356 = arith.constant 16 : index
    %get3A_357 = arith.constant 0 : index
    %get3A_358 = vector.load %arg6[%get3A_356, %get3A_357] : memref<64x128xf32, #tpu.memory_space<vmem>>, vector<1x128xf32>
    %max3A_359 = arith.maximumf %get3A_358, %broadcast_in_dim3A_355 : vector<1x128xf32>
    %swap3A_360 = arith.constant 16 : index
    %swap3A_361 = arith.constant 0 : index
    %swap3A_362 = vector.load %arg6[%swap3A_360, %swap3A_361] : memref<64x128xf32, #tpu.memory_space<vmem>>, vector<1x128xf32>
    tpu.vector_store %arg6[%swap3A_360, %swap3A_361], %max3A_359 {strides = array<i32>} : memref<64x128xf32, #tpu.memory_space<vmem>>, vector<1x128xf32>,
    %eq3A_363 = arith.constant 17 : i32
    %eq3A_364 = vector.broadcast %eq3A_363 : i32 to vector<1000x1xi32>
    %eq3A_365 = arith.cmpi eq, %get3A_38, %eq3A_364 : vector<1000x1xi32>
    %jit3A_366 = arith.constant 0xFF800000 : f32
    %broadcast_in_dim3A_367 = vector.shape_cast %eq3A_365 : vector<1000x1xi1> to vector<1000x1xi1>
    %broadcast_in_dim3A_368 = vector.broadcast %broadcast_in_dim3A_367 : vector<1000x1xi1> to vector<1000x128xi1>
    %broadcast_in_dim3A_369 = vector.broadcast %jit3A_366 : f32 to vector<1000x128xf32>
    %select_n3A_370 = arith.select %broadcast_in_dim3A_368, %max3A_35, %broadcast_in_dim3A_369 : vector<1000x128xi1>, vector<1000x128xf32>
    %reduce_max3A_371 = arith.constant dense<0xFF800000> : vector<128xf32>
    %reduce_max3A_372 = vector.multi_reduction <maximumf>, %select_n3A_370, %reduce_max3A_371 [0] : vector<1000x128xf32> to vector<128xf32>
    %broadcast_in_dim3A_373 = vector.shape_cast %reduce_max3A_372 : vector<128xf32> to vector<1x128xf32>
    %get3A_374 = arith.constant 17 : index
    %get3A_375 = arith.constant 0 : index
    %get3A_376 = vector.load %arg6[%get3A_374, %get3A_375] : memref<64x128xf32, #tpu.memory_space<vmem>>, vector<1x128xf32>
    %max3A_377 = arith.maximumf %get3A_376, %broadcast_in_dim3A_373 : vector<1x128xf32>
    %swap3A_378 = arith.constant 17 : index
    %swap3A_379 = arith.constant 0 : index
    %swap3A_380 = vector.load %arg6[%swap3A_378, %swap3A_379] : memref<64x128xf32, #tpu.memory_space<vmem>>, vector<1x128xf32>
    tpu.vector_store %arg6[%swap3A_378, %swap3A_379], %max3A_377 {strides = array<i32>} : memref<64x128xf32, #tpu.memory_space<vmem>>, vector<1x128xf32>,
    %eq3A_381 = arith.constant 18 : i32
    %eq3A_382 = vector.broadcast %eq3A_381 : i32 to vector<1000x1xi32>
    %eq3A_383 = arith.cmpi eq, %get3A_38, %eq3A_382 : vector<1000x1xi32>
    %jit3A_384 = arith.constant 0xFF800000 : f32
    %broadcast_in_dim3A_385 = vector.shape_cast %eq3A_383 : vector<1000x1xi1> to vector<1000x1xi1>
    %broadcast_in_dim3A_386 = vector.broadcast %broadcast_in_dim3A_385 : vector<1000x1xi1> to vector<1000x128xi1>
    %broadcast_in_dim3A_387 = vector.broadcast %jit3A_384 : f32 to vector<1000x128xf32>
    %select_n3A_388 = arith.select %broadcast_in_dim3A_386, %max3A_35, %broadcast_in_dim3A_387 : vector<1000x128xi1>, vector<1000x128xf32>
    %reduce_max3A_389 = arith.constant dense<0xFF800000> : vector<128xf32>
    %reduce_max3A_390 = vector.multi_reduction <maximumf>, %select_n3A_388, %reduce_max3A_389 [0] : vector<1000x128xf32> to vector<128xf32>
    %broadcast_in_dim3A_391 = vector.shape_cast %reduce_max3A_390 : vector<128xf32> to vector<1x128xf32>
    %get3A_392 = arith.constant 18 : index
    %get3A_393 = arith.constant 0 : index
    %get3A_394 = vector.load %arg6[%get3A_392, %get3A_393] : memref<64x128xf32, #tpu.memory_space<vmem>>, vector<1x128xf32>
    %max3A_395 = arith.maximumf %get3A_394, %broadcast_in_dim3A_391 : vector<1x128xf32>
    %swap3A_396 = arith.constant 18 : index
    %swap3A_397 = arith.constant 0 : index
    %swap3A_398 = vector.load %arg6[%swap3A_396, %swap3A_397] : memref<64x128xf32, #tpu.memory_space<vmem>>, vector<1x128xf32>
    tpu.vector_store %arg6[%swap3A_396, %swap3A_397], %max3A_395 {strides = array<i32>} : memref<64x128xf32, #tpu.memory_space<vmem>>, vector<1x128xf32>,
    %eq3A_399 = arith.constant 19 : i32
    %eq3A_400 = vector.broadcast %eq3A_399 : i32 to vector<1000x1xi32>
    %eq3A_401 = arith.cmpi eq, %get3A_38, %eq3A_400 : vector<1000x1xi32>
    %jit3A_402 = arith.constant 0xFF800000 : f32
    %broadcast_in_dim3A_403 = vector.shape_cast %eq3A_401 : vector<1000x1xi1> to vector<1000x1xi1>
    %broadcast_in_dim3A_404 = vector.broadcast %broadcast_in_dim3A_403 : vector<1000x1xi1> to vector<1000x128xi1>
    %broadcast_in_dim3A_405 = vector.broadcast %jit3A_402 : f32 to vector<1000x128xf32>
    %select_n3A_406 = arith.select %broadcast_in_dim3A_404, %max3A_35, %broadcast_in_dim3A_405 : vector<1000x128xi1>, vector<1000x128xf32>
    %reduce_max3A_407 = arith.constant dense<0xFF800000> : vector<128xf32>
    %reduce_max3A_408 = vector.multi_reduction <maximumf>, %select_n3A_406, %reduce_max3A_407 [0] : vector<1000x128xf32> to vector<128xf32>
    %broadcast_in_dim3A_409 = vector.shape_cast %reduce_max3A_408 : vector<128xf32> to vector<1x128xf32>
    %get3A_410 = arith.constant 19 : index
    %get3A_411 = arith.constant 0 : index
    %get3A_412 = vector.load %arg6[%get3A_410, %get3A_411] : memref<64x128xf32, #tpu.memory_space<vmem>>, vector<1x128xf32>
    %max3A_413 = arith.maximumf %get3A_412, %broadcast_in_dim3A_409 : vector<1x128xf32>
    %swap3A_414 = arith.constant 19 : index
    %swap3A_415 = arith.constant 0 : index
    %swap3A_416 = vector.load %arg6[%swap3A_414, %swap3A_415] : memref<64x128xf32, #tpu.memory_space<vmem>>, vector<1x128xf32>
    tpu.vector_store %arg6[%swap3A_414, %swap3A_415], %max3A_413 {strides = array<i32>} : memref<64x128xf32, #tpu.memory_space<vmem>>, vector<1x128xf32>,
    %eq3A_417 = arith.constant 20 : i32
    %eq3A_418 = vector.broadcast %eq3A_417 : i32 to vector<1000x1xi32>
    %eq3A_419 = arith.cmpi eq, %get3A_38, %eq3A_418 : vector<1000x1xi32>
    %jit3A_420 = arith.constant 0xFF800000 : f32
    %broadcast_in_dim3A_421 = vector.shape_cast %eq3A_419 : vector<1000x1xi1> to vector<1000x1xi1>
    %broadcast_in_dim3A_422 = vector.broadcast %broadcast_in_dim3A_421 : vector<1000x1xi1> to vector<1000x128xi1>
    %broadcast_in_dim3A_423 = vector.broadcast %jit3A_420 : f32 to vector<1000x128xf32>
    %select_n3A_424 = arith.select %broadcast_in_dim3A_422, %max3A_35, %broadcast_in_dim3A_423 : vector<1000x128xi1>, vector<1000x128xf32>
    %reduce_max3A_425 = arith.constant dense<0xFF800000> : vector<128xf32>
    %reduce_max3A_426 = vector.multi_reduction <maximumf>, %select_n3A_424, %reduce_max3A_425 [0] : vector<1000x128xf32> to vector<128xf32>
    %broadcast_in_dim3A_427 = vector.shape_cast %reduce_max3A_426 : vector<128xf32> to vector<1x128xf32>
    %get3A_428 = arith.constant 20 : index
    %get3A_429 = arith.constant 0 : index
    %get3A_430 = vector.load %arg6[%get3A_428, %get3A_429] : memref<64x128xf32, #tpu.memory_space<vmem>>, vector<1x128xf32>
    %max3A_431 = arith.maximumf %get3A_430, %broadcast_in_dim3A_427 : vector<1x128xf32>
    %swap3A_432 = arith.constant 20 : index
    %swap3A_433 = arith.constant 0 : index
    %swap3A_434 = vector.load %arg6[%swap3A_432, %swap3A_433] : memref<64x128xf32, #tpu.memory_space<vmem>>, vector<1x128xf32>
    tpu.vector_store %arg6[%swap3A_432, %swap3A_433], %max3A_431 {strides = array<i32>} : memref<64x128xf32, #tpu.memory_space<vmem>>, vector<1x128xf32>,
    %eq3A_435 = arith.constant 21 : i32
    %eq3A_436 = vector.broadcast %eq3A_435 : i32 to vector<1000x1xi32>
    %eq3A_437 = arith.cmpi eq, %get3A_38, %eq3A_436 : vector<1000x1xi32>
    %jit3A_438 = arith.constant 0xFF800000 : f32
    %broadcast_in_dim3A_439 = vector.shape_cast %eq3A_437 : vector<1000x1xi1> to vector<1000x1xi1>
    %broadcast_in_dim3A_440 = vector.broadcast %broadcast_in_dim3A_439 : vector<1000x1xi1> to vector<1000x128xi1>
    %broadcast_in_dim3A_441 = vector.broadcast %jit3A_438 : f32 to vector<1000x128xf32>
    %select_n3A_442 = arith.select %broadcast_in_dim3A_440, %max3A_35, %broadcast_in_dim3A_441 : vector<1000x128xi1>, vector<1000x128xf32>
    %reduce_max3A_443 = arith.constant dense<0xFF800000> : vector<128xf32>
    %reduce_max3A_444 = vector.multi_reduction <maximumf>, %select_n3A_442, %reduce_max3A_443 [0] : vector<1000x128xf32> to vector<128xf32>
    %broadcast_in_dim3A_445 = vector.shape_cast %reduce_max3A_444 : vector<128xf32> to vector<1x128xf32>
    %get3A_446 = arith.constant 21 : index
    %get3A_447 = arith.constant 0 : index
    %get3A_448 = vector.load %arg6[%get3A_446, %get3A_447] : memref<64x128xf32, #tpu.memory_space<vmem>>, vector<1x128xf32>
    %max3A_449 = arith.maximumf %get3A_448, %broadcast_in_dim3A_445 : vector<1x128xf32>
    %swap3A_450 = arith.constant 21 : index
    %swap3A_451 = arith.constant 0 : index
    %swap3A_452 = vector.load %arg6[%swap3A_450, %swap3A_451] : memref<64x128xf32, #tpu.memory_space<vmem>>, vector<1x128xf32>
    tpu.vector_store %arg6[%swap3A_450, %swap3A_451], %max3A_449 {strides = array<i32>} : memref<64x128xf32, #tpu.memory_space<vmem>>, vector<1x128xf32>,
    %eq3A_453 = arith.constant 22 : i32
    %eq3A_454 = vector.broadcast %eq3A_453 : i32 to vector<1000x1xi32>
    %eq3A_455 = arith.cmpi eq, %get3A_38, %eq3A_454 : vector<1000x1xi32>
    %jit3A_456 = arith.constant 0xFF800000 : f32
    %broadcast_in_dim3A_457 = vector.shape_cast %eq3A_455 : vector<1000x1xi1> to vector<1000x1xi1>
    %broadcast_in_dim3A_458 = vector.broadcast %broadcast_in_dim3A_457 : vector<1000x1xi1> to vector<1000x128xi1>
    %broadcast_in_dim3A_459 = vector.broadcast %jit3A_456 : f32 to vector<1000x128xf32>
    %select_n3A_460 = arith.select %broadcast_in_dim3A_458, %max3A_35, %broadcast_in_dim3A_459 : vector<1000x128xi1>, vector<1000x128xf32>
    %reduce_max3A_461 = arith.constant dense<0xFF800000> : vector<128xf32>
    %reduce_max3A_462 = vector.multi_reduction <maximumf>, %select_n3A_460, %reduce_max3A_461 [0] : vector<1000x128xf32> to vector<128xf32>
    %broadcast_in_dim3A_463 = vector.shape_cast %reduce_max3A_462 : vector<128xf32> to vector<1x128xf32>
    %get3A_464 = arith.constant 22 : index
    %get3A_465 = arith.constant 0 : index
    %get3A_466 = vector.load %arg6[%get3A_464, %get3A_465] : memref<64x128xf32, #tpu.memory_space<vmem>>, vector<1x128xf32>
    %max3A_467 = arith.maximumf %get3A_466, %broadcast_in_dim3A_463 : vector<1x128xf32>
    %swap3A_468 = arith.constant 22 : index
    %swap3A_469 = arith.constant 0 : index
    %swap3A_470 = vector.load %arg6[%swap3A_468, %swap3A_469] : memref<64x128xf32, #tpu.memory_space<vmem>>, vector<1x128xf32>
    tpu.vector_store %arg6[%swap3A_468, %swap3A_469], %max3A_467 {strides = array<i32>} : memref<64x128xf32, #tpu.memory_space<vmem>>, vector<1x128xf32>,
    %eq3A_471 = arith.constant 23 : i32
    %eq3A_472 = vector.broadcast %eq3A_471 : i32 to vector<1000x1xi32>
    %eq3A_473 = arith.cmpi eq, %get3A_38, %eq3A_472 : vector<1000x1xi32>
    %jit3A_474 = arith.constant 0xFF800000 : f32
    %broadcast_in_dim3A_475 = vector.shape_cast %eq3A_473 : vector<1000x1xi1> to vector<1000x1xi1>
    %broadcast_in_dim3A_476 = vector.broadcast %broadcast_in_dim3A_475 : vector<1000x1xi1> to vector<1000x128xi1>
    %broadcast_in_dim3A_477 = vector.broadcast %jit3A_474 : f32 to vector<1000x128xf32>
    %select_n3A_478 = arith.select %broadcast_in_dim3A_476, %max3A_35, %broadcast_in_dim3A_477 : vector<1000x128xi1>, vector<1000x128xf32>
    %reduce_max3A_479 = arith.constant dense<0xFF800000> : vector<128xf32>
    %reduce_max3A_480 = vector.multi_reduction <maximumf>, %select_n3A_478, %reduce_max3A_479 [0] : vector<1000x128xf32> to vector<128xf32>
    %broadcast_in_dim3A_481 = vector.shape_cast %reduce_max3A_480 : vector<128xf32> to vector<1x128xf32>
    %get3A_482 = arith.constant 23 : index
    %get3A_483 = arith.constant 0 : index
    %get3A_484 = vector.load %arg6[%get3A_482, %get3A_483] : memref<64x128xf32, #tpu.memory_space<vmem>>, vector<1x128xf32>
    %max3A_485 = arith.maximumf %get3A_484, %broadcast_in_dim3A_481 : vector<1x128xf32>
    %swap3A_486 = arith.constant 23 : index
    %swap3A_487 = arith.constant 0 : index
    %swap3A_488 = vector.load %arg6[%swap3A_486, %swap3A_487] : memref<64x128xf32, #tpu.memory_space<vmem>>, vector<1x128xf32>
    tpu.vector_store %arg6[%swap3A_486, %swap3A_487], %max3A_485 {strides = array<i32>} : memref<64x128xf32, #tpu.memory_space<vmem>>, vector<1x128xf32>,
    %eq3A_489 = arith.constant 24 : i32
    %eq3A_490 = vector.broadcast %eq3A_489 : i32 to vector<1000x1xi32>
    %eq3A_491 = arith.cmpi eq, %get3A_38, %eq3A_490 : vector<1000x1xi32>
    %jit3A_492 = arith.constant 0xFF800000 : f32
    %broadcast_in_dim3A_493 = vector.shape_cast %eq3A_491 : vector<1000x1xi1> to vector<1000x1xi1>
    %broadcast_in_dim3A_494 = vector.broadcast %broadcast_in_dim3A_493 : vector<1000x1xi1> to vector<1000x128xi1>
    %broadcast_in_dim3A_495 = vector.broadcast %jit3A_492 : f32 to vector<1000x128xf32>
    %select_n3A_496 = arith.select %broadcast_in_dim3A_494, %max3A_35, %broadcast_in_dim3A_495 : vector<1000x128xi1>, vector<1000x128xf32>
    %reduce_max3A_497 = arith.constant dense<0xFF800000> : vector<128xf32>
    %reduce_max3A_498 = vector.multi_reduction <maximumf>, %select_n3A_496, %reduce_max3A_497 [0] : vector<1000x128xf32> to vector<128xf32>
    %broadcast_in_dim3A_499 = vector.shape_cast %reduce_max3A_498 : vector<128xf32> to vector<1x128xf32>
    %get3A_500 = arith.constant 24 : index
    %get3A_501 = arith.constant 0 : index
    %get3A_502 = vector.load %arg6[%get3A_500, %get3A_501] : memref<64x128xf32, #tpu.memory_space<vmem>>, vector<1x128xf32>
    %max3A_503 = arith.maximumf %get3A_502, %broadcast_in_dim3A_499 : vector<1x128xf32>
    %swap3A_504 = arith.constant 24 : index
    %swap3A_505 = arith.constant 0 : index
    %swap3A_506 = vector.load %arg6[%swap3A_504, %swap3A_505] : memref<64x128xf32, #tpu.memory_space<vmem>>, vector<1x128xf32>
    tpu.vector_store %arg6[%swap3A_504, %swap3A_505], %max3A_503 {strides = array<i32>} : memref<64x128xf32, #tpu.memory_space<vmem>>, vector<1x128xf32>,
    %eq3A_507 = arith.constant 25 : i32
    %eq3A_508 = vector.broadcast %eq3A_507 : i32 to vector<1000x1xi32>
    %eq3A_509 = arith.cmpi eq, %get3A_38, %eq3A_508 : vector<1000x1xi32>
    %jit3A_510 = arith.constant 0xFF800000 : f32
    %broadcast_in_dim3A_511 = vector.shape_cast %eq3A_509 : vector<1000x1xi1> to vector<1000x1xi1>
    %broadcast_in_dim3A_512 = vector.broadcast %broadcast_in_dim3A_511 : vector<1000x1xi1> to vector<1000x128xi1>
    %broadcast_in_dim3A_513 = vector.broadcast %jit3A_510 : f32 to vector<1000x128xf32>
    %select_n3A_514 = arith.select %broadcast_in_dim3A_512, %max3A_35, %broadcast_in_dim3A_513 : vector<1000x128xi1>, vector<1000x128xf32>
    %reduce_max3A_515 = arith.constant dense<0xFF800000> : vector<128xf32>
    %reduce_max3A_516 = vector.multi_reduction <maximumf>, %select_n3A_514, %reduce_max3A_515 [0] : vector<1000x128xf32> to vector<128xf32>
    %broadcast_in_dim3A_517 = vector.shape_cast %reduce_max3A_516 : vector<128xf32> to vector<1x128xf32>
    %get3A_518 = arith.constant 25 : index
    %get3A_519 = arith.constant 0 : index
    %get3A_520 = vector.load %arg6[%get3A_518, %get3A_519] : memref<64x128xf32, #tpu.memory_space<vmem>>, vector<1x128xf32>
    %max3A_521 = arith.maximumf %get3A_520, %broadcast_in_dim3A_517 : vector<1x128xf32>
    %swap3A_522 = arith.constant 25 : index
    %swap3A_523 = arith.constant 0 : index
    %swap3A_524 = vector.load %arg6[%swap3A_522, %swap3A_523] : memref<64x128xf32, #tpu.memory_space<vmem>>, vector<1x128xf32>
    tpu.vector_store %arg6[%swap3A_522, %swap3A_523], %max3A_521 {strides = array<i32>} : memref<64x128xf32, #tpu.memory_space<vmem>>, vector<1x128xf32>,
    %eq3A_525 = arith.constant 26 : i32
    %eq3A_526 = vector.broadcast %eq3A_525 : i32 to vector<1000x1xi32>
    %eq3A_527 = arith.cmpi eq, %get3A_38, %eq3A_526 : vector<1000x1xi32>
    %jit3A_528 = arith.constant 0xFF800000 : f32
    %broadcast_in_dim3A_529 = vector.shape_cast %eq3A_527 : vector<1000x1xi1> to vector<1000x1xi1>
    %broadcast_in_dim3A_530 = vector.broadcast %broadcast_in_dim3A_529 : vector<1000x1xi1> to vector<1000x128xi1>
    %broadcast_in_dim3A_531 = vector.broadcast %jit3A_528 : f32 to vector<1000x128xf32>
    %select_n3A_532 = arith.select %broadcast_in_dim3A_530, %max3A_35, %broadcast_in_dim3A_531 : vector<1000x128xi1>, vector<1000x128xf32>
    %reduce_max3A_533 = arith.constant dense<0xFF800000> : vector<128xf32>
    %reduce_max3A_534 = vector.multi_reduction <maximumf>, %select_n3A_532, %reduce_max3A_533 [0] : vector<1000x128xf32> to vector<128xf32>
    %broadcast_in_dim3A_535 = vector.shape_cast %reduce_max3A_534 : vector<128xf32> to vector<1x128xf32>
    %get3A_536 = arith.constant 26 : index
    %get3A_537 = arith.constant 0 : index
    %get3A_538 = vector.load %arg6[%get3A_536, %get3A_537] : memref<64x128xf32, #tpu.memory_space<vmem>>, vector<1x128xf32>
    %max3A_539 = arith.maximumf %get3A_538, %broadcast_in_dim3A_535 : vector<1x128xf32>
    %swap3A_540 = arith.constant 26 : index
    %swap3A_541 = arith.constant 0 : index
    %swap3A_542 = vector.load %arg6[%swap3A_540, %swap3A_541] : memref<64x128xf32, #tpu.memory_space<vmem>>, vector<1x128xf32>
    tpu.vector_store %arg6[%swap3A_540, %swap3A_541], %max3A_539 {strides = array<i32>} : memref<64x128xf32, #tpu.memory_space<vmem>>, vector<1x128xf32>,
    %eq3A_543 = arith.constant 27 : i32
    %eq3A_544 = vector.broadcast %eq3A_543 : i32 to vector<1000x1xi32>
    %eq3A_545 = arith.cmpi eq, %get3A_38, %eq3A_544 : vector<1000x1xi32>
    %jit3A_546 = arith.constant 0xFF800000 : f32
    %broadcast_in_dim3A_547 = vector.shape_cast %eq3A_545 : vector<1000x1xi1> to vector<1000x1xi1>
    %broadcast_in_dim3A_548 = vector.broadcast %broadcast_in_dim3A_547 : vector<1000x1xi1> to vector<1000x128xi1>
    %broadcast_in_dim3A_549 = vector.broadcast %jit3A_546 : f32 to vector<1000x128xf32>
    %select_n3A_550 = arith.select %broadcast_in_dim3A_548, %max3A_35, %broadcast_in_dim3A_549 : vector<1000x128xi1>, vector<1000x128xf32>
    %reduce_max3A_551 = arith.constant dense<0xFF800000> : vector<128xf32>
    %reduce_max3A_552 = vector.multi_reduction <maximumf>, %select_n3A_550, %reduce_max3A_551 [0] : vector<1000x128xf32> to vector<128xf32>
    %broadcast_in_dim3A_553 = vector.shape_cast %reduce_max3A_552 : vector<128xf32> to vector<1x128xf32>
    %get3A_554 = arith.constant 27 : index
    %get3A_555 = arith.constant 0 : index
    %get3A_556 = vector.load %arg6[%get3A_554, %get3A_555] : memref<64x128xf32, #tpu.memory_space<vmem>>, vector<1x128xf32>
    %max3A_557 = arith.maximumf %get3A_556, %broadcast_in_dim3A_553 : vector<1x128xf32>
    %swap3A_558 = arith.constant 27 : index
    %swap3A_559 = arith.constant 0 : index
    %swap3A_560 = vector.load %arg6[%swap3A_558, %swap3A_559] : memref<64x128xf32, #tpu.memory_space<vmem>>, vector<1x128xf32>
    tpu.vector_store %arg6[%swap3A_558, %swap3A_559], %max3A_557 {strides = array<i32>} : memref<64x128xf32, #tpu.memory_space<vmem>>, vector<1x128xf32>,
    %eq3A_561 = arith.constant 28 : i32
    %eq3A_562 = vector.broadcast %eq3A_561 : i32 to vector<1000x1xi32>
    %eq3A_563 = arith.cmpi eq, %get3A_38, %eq3A_562 : vector<1000x1xi32>
    %jit3A_564 = arith.constant 0xFF800000 : f32
    %broadcast_in_dim3A_565 = vector.shape_cast %eq3A_563 : vector<1000x1xi1> to vector<1000x1xi1>
    %broadcast_in_dim3A_566 = vector.broadcast %broadcast_in_dim3A_565 : vector<1000x1xi1> to vector<1000x128xi1>
    %broadcast_in_dim3A_567 = vector.broadcast %jit3A_564 : f32 to vector<1000x128xf32>
    %select_n3A_568 = arith.select %broadcast_in_dim3A_566, %max3A_35, %broadcast_in_dim3A_567 : vector<1000x128xi1>, vector<1000x128xf32>
    %reduce_max3A_569 = arith.constant dense<0xFF800000> : vector<128xf32>
    %reduce_max3A_570 = vector.multi_reduction <maximumf>, %select_n3A_568, %reduce_max3A_569 [0] : vector<1000x128xf32> to vector<128xf32>
    %broadcast_in_dim3A_571 = vector.shape_cast %reduce_max3A_570 : vector<128xf32> to vector<1x128xf32>
    %get3A_572 = arith.constant 28 : index
    %get3A_573 = arith.constant 0 : index
    %get3A_574 = vector.load %arg6[%get3A_572, %get3A_573] : memref<64x128xf32, #tpu.memory_space<vmem>>, vector<1x128xf32>
    %max3A_575 = arith.maximumf %get3A_574, %broadcast_in_dim3A_571 : vector<1x128xf32>
    %swap3A_576 = arith.constant 28 : index
    %swap3A_577 = arith.constant 0 : index
    %swap3A_578 = vector.load %arg6[%swap3A_576, %swap3A_577] : memref<64x128xf32, #tpu.memory_space<vmem>>, vector<1x128xf32>
    tpu.vector_store %arg6[%swap3A_576, %swap3A_577], %max3A_575 {strides = array<i32>} : memref<64x128xf32, #tpu.memory_space<vmem>>, vector<1x128xf32>,
    %eq3A_579 = arith.constant 29 : i32
    %eq3A_580 = vector.broadcast %eq3A_579 : i32 to vector<1000x1xi32>
    %eq3A_581 = arith.cmpi eq, %get3A_38, %eq3A_580 : vector<1000x1xi32>
    %jit3A_582 = arith.constant 0xFF800000 : f32
    %broadcast_in_dim3A_583 = vector.shape_cast %eq3A_581 : vector<1000x1xi1> to vector<1000x1xi1>
    %broadcast_in_dim3A_584 = vector.broadcast %broadcast_in_dim3A_583 : vector<1000x1xi1> to vector<1000x128xi1>
    %broadcast_in_dim3A_585 = vector.broadcast %jit3A_582 : f32 to vector<1000x128xf32>
    %select_n3A_586 = arith.select %broadcast_in_dim3A_584, %max3A_35, %broadcast_in_dim3A_585 : vector<1000x128xi1>, vector<1000x128xf32>
    %reduce_max3A_587 = arith.constant dense<0xFF800000> : vector<128xf32>
    %reduce_max3A_588 = vector.multi_reduction <maximumf>, %select_n3A_586, %reduce_max3A_587 [0] : vector<1000x128xf32> to vector<128xf32>
    %broadcast_in_dim3A_589 = vector.shape_cast %reduce_max3A_588 : vector<128xf32> to vector<1x128xf32>
    %get3A_590 = arith.constant 29 : index
    %get3A_591 = arith.constant 0 : index
    %get3A_592 = vector.load %arg6[%get3A_590, %get3A_591] : memref<64x128xf32, #tpu.memory_space<vmem>>, vector<1x128xf32>
    %max3A_593 = arith.maximumf %get3A_592, %broadcast_in_dim3A_589 : vector<1x128xf32>
    %swap3A_594 = arith.constant 29 : index
    %swap3A_595 = arith.constant 0 : index
    %swap3A_596 = vector.load %arg6[%swap3A_594, %swap3A_595] : memref<64x128xf32, #tpu.memory_space<vmem>>, vector<1x128xf32>
    tpu.vector_store %arg6[%swap3A_594, %swap3A_595], %max3A_593 {strides = array<i32>} : memref<64x128xf32, #tpu.memory_space<vmem>>, vector<1x128xf32>,
    %eq3A_597 = arith.constant 30 : i32
    %eq3A_598 = vector.broadcast %eq3A_597 : i32 to vector<1000x1xi32>
    %eq3A_599 = arith.cmpi eq, %get3A_38, %eq3A_598 : vector<1000x1xi32>
    %jit3A_600 = arith.constant 0xFF800000 : f32
    %broadcast_in_dim3A_601 = vector.shape_cast %eq3A_599 : vector<1000x1xi1> to vector<1000x1xi1>
    %broadcast_in_dim3A_602 = vector.broadcast %broadcast_in_dim3A_601 : vector<1000x1xi1> to vector<1000x128xi1>
    %broadcast_in_dim3A_603 = vector.broadcast %jit3A_600 : f32 to vector<1000x128xf32>
    %select_n3A_604 = arith.select %broadcast_in_dim3A_602, %max3A_35, %broadcast_in_dim3A_603 : vector<1000x128xi1>, vector<1000x128xf32>
    %reduce_max3A_605 = arith.constant dense<0xFF800000> : vector<128xf32>
    %reduce_max3A_606 = vector.multi_reduction <maximumf>, %select_n3A_604, %reduce_max3A_605 [0] : vector<1000x128xf32> to vector<128xf32>
    %broadcast_in_dim3A_607 = vector.shape_cast %reduce_max3A_606 : vector<128xf32> to vector<1x128xf32>
    %get3A_608 = arith.constant 30 : index
    %get3A_609 = arith.constant 0 : index
    %get3A_610 = vector.load %arg6[%get3A_608, %get3A_609] : memref<64x128xf32, #tpu.memory_space<vmem>>, vector<1x128xf32>
    %max3A_611 = arith.maximumf %get3A_610, %broadcast_in_dim3A_607 : vector<1x128xf32>
    %swap3A_612 = arith.constant 30 : index
    %swap3A_613 = arith.constant 0 : index
    %swap3A_614 = vector.load %arg6[%swap3A_612, %swap3A_613] : memref<64x128xf32, #tpu.memory_space<vmem>>, vector<1x128xf32>
    tpu.vector_store %arg6[%swap3A_612, %swap3A_613], %max3A_611 {strides = array<i32>} : memref<64x128xf32, #tpu.memory_space<vmem>>, vector<1x128xf32>,
    %eq3A_615 = arith.constant 31 : i32
    %eq3A_616 = vector.broadcast %eq3A_615 : i32 to vector<1000x1xi32>
    %eq3A_617 = arith.cmpi eq, %get3A_38, %eq3A_616 : vector<1000x1xi32>
    %jit3A_618 = arith.constant 0xFF800000 : f32
    %broadcast_in_dim3A_619 = vector.shape_cast %eq3A_617 : vector<1000x1xi1> to vector<1000x1xi1>
    %broadcast_in_dim3A_620 = vector.broadcast %broadcast_in_dim3A_619 : vector<1000x1xi1> to vector<1000x128xi1>
    %broadcast_in_dim3A_621 = vector.broadcast %jit3A_618 : f32 to vector<1000x128xf32>
    %select_n3A_622 = arith.select %broadcast_in_dim3A_620, %max3A_35, %broadcast_in_dim3A_621 : vector<1000x128xi1>, vector<1000x128xf32>
    %reduce_max3A_623 = arith.constant dense<0xFF800000> : vector<128xf32>
    %reduce_max3A_624 = vector.multi_reduction <maximumf>, %select_n3A_622, %reduce_max3A_623 [0] : vector<1000x128xf32> to vector<128xf32>
    %broadcast_in_dim3A_625 = vector.shape_cast %reduce_max3A_624 : vector<128xf32> to vector<1x128xf32>
    %get3A_626 = arith.constant 31 : index
    %get3A_627 = arith.constant 0 : index
    %get3A_628 = vector.load %arg6[%get3A_626, %get3A_627] : memref<64x128xf32, #tpu.memory_space<vmem>>, vector<1x128xf32>
    %max3A_629 = arith.maximumf %get3A_628, %broadcast_in_dim3A_625 : vector<1x128xf32>
    %swap3A_630 = arith.constant 31 : index
    %swap3A_631 = arith.constant 0 : index
    %swap3A_632 = vector.load %arg6[%swap3A_630, %swap3A_631] : memref<64x128xf32, #tpu.memory_space<vmem>>, vector<1x128xf32>
    tpu.vector_store %arg6[%swap3A_630, %swap3A_631], %max3A_629 {strides = array<i32>} : memref<64x128xf32, #tpu.memory_space<vmem>>, vector<1x128xf32>,
    %eq3A_633 = arith.constant 32 : i32
    %eq3A_634 = vector.broadcast %eq3A_633 : i32 to vector<1000x1xi32>
    %eq3A_635 = arith.cmpi eq, %get3A_38, %eq3A_634 : vector<1000x1xi32>
    %jit3A_636 = arith.constant 0xFF800000 : f32
    %broadcast_in_dim3A_637 = vector.shape_cast %eq3A_635 : vector<1000x1xi1> to vector<1000x1xi1>
    %broadcast_in_dim3A_638 = vector.broadcast %broadcast_in_dim3A_637 : vector<1000x1xi1> to vector<1000x128xi1>
    %broadcast_in_dim3A_639 = vector.broadcast %jit3A_636 : f32 to vector<1000x128xf32>
    %select_n3A_640 = arith.select %broadcast_in_dim3A_638, %max3A_35, %broadcast_in_dim3A_639 : vector<1000x128xi1>, vector<1000x128xf32>
    %reduce_max3A_641 = arith.constant dense<0xFF800000> : vector<128xf32>
    %reduce_max3A_642 = vector.multi_reduction <maximumf>, %select_n3A_640, %reduce_max3A_641 [0] : vector<1000x128xf32> to vector<128xf32>
    %broadcast_in_dim3A_643 = vector.shape_cast %reduce_max3A_642 : vector<128xf32> to vector<1x128xf32>
    %get3A_644 = arith.constant 32 : index
    %get3A_645 = arith.constant 0 : index
    %get3A_646 = vector.load %arg6[%get3A_644, %get3A_645] : memref<64x128xf32, #tpu.memory_space<vmem>>, vector<1x128xf32>
    %max3A_647 = arith.maximumf %get3A_646, %broadcast_in_dim3A_643 : vector<1x128xf32>
    %swap3A_648 = arith.constant 32 : index
    %swap3A_649 = arith.constant 0 : index
    %swap3A_650 = vector.load %arg6[%swap3A_648, %swap3A_649] : memref<64x128xf32, #tpu.memory_space<vmem>>, vector<1x128xf32>
    tpu.vector_store %arg6[%swap3A_648, %swap3A_649], %max3A_647 {strides = array<i32>} : memref<64x128xf32, #tpu.memory_space<vmem>>, vector<1x128xf32>,
    %eq3A_651 = arith.constant 33 : i32
    %eq3A_652 = vector.broadcast %eq3A_651 : i32 to vector<1000x1xi32>
    %eq3A_653 = arith.cmpi eq, %get3A_38, %eq3A_652 : vector<1000x1xi32>
    %jit3A_654 = arith.constant 0xFF800000 : f32
    %broadcast_in_dim3A_655 = vector.shape_cast %eq3A_653 : vector<1000x1xi1> to vector<1000x1xi1>
    %broadcast_in_dim3A_656 = vector.broadcast %broadcast_in_dim3A_655 : vector<1000x1xi1> to vector<1000x128xi1>
    %broadcast_in_dim3A_657 = vector.broadcast %jit3A_654 : f32 to vector<1000x128xf32>
    %select_n3A_658 = arith.select %broadcast_in_dim3A_656, %max3A_35, %broadcast_in_dim3A_657 : vector<1000x128xi1>, vector<1000x128xf32>
    %reduce_max3A_659 = arith.constant dense<0xFF800000> : vector<128xf32>
    %reduce_max3A_660 = vector.multi_reduction <maximumf>, %select_n3A_658, %reduce_max3A_659 [0] : vector<1000x128xf32> to vector<128xf32>
    %broadcast_in_dim3A_661 = vector.shape_cast %reduce_max3A_660 : vector<128xf32> to vector<1x128xf32>
    %get3A_662 = arith.constant 33 : index
    %get3A_663 = arith.constant 0 : index
    %get3A_664 = vector.load %arg6[%get3A_662, %get3A_663] : memref<64x128xf32, #tpu.memory_space<vmem>>, vector<1x128xf32>
    %max3A_665 = arith.maximumf %get3A_664, %broadcast_in_dim3A_661 : vector<1x128xf32>
    %swap3A_666 = arith.constant 33 : index
    %swap3A_667 = arith.constant 0 : index
    %swap3A_668 = vector.load %arg6[%swap3A_666, %swap3A_667] : memref<64x128xf32, #tpu.memory_space<vmem>>, vector<1x128xf32>
    tpu.vector_store %arg6[%swap3A_666, %swap3A_667], %max3A_665 {strides = array<i32>} : memref<64x128xf32, #tpu.memory_space<vmem>>, vector<1x128xf32>,
    %eq3A_669 = arith.constant 34 : i32
    %eq3A_670 = vector.broadcast %eq3A_669 : i32 to vector<1000x1xi32>
    %eq3A_671 = arith.cmpi eq, %get3A_38, %eq3A_670 : vector<1000x1xi32>
    %jit3A_672 = arith.constant 0xFF800000 : f32
    %broadcast_in_dim3A_673 = vector.shape_cast %eq3A_671 : vector<1000x1xi1> to vector<1000x1xi1>
    %broadcast_in_dim3A_674 = vector.broadcast %broadcast_in_dim3A_673 : vector<1000x1xi1> to vector<1000x128xi1>
    %broadcast_in_dim3A_675 = vector.broadcast %jit3A_672 : f32 to vector<1000x128xf32>
    %select_n3A_676 = arith.select %broadcast_in_dim3A_674, %max3A_35, %broadcast_in_dim3A_675 : vector<1000x128xi1>, vector<1000x128xf32>
    %reduce_max3A_677 = arith.constant dense<0xFF800000> : vector<128xf32>
    %reduce_max3A_678 = vector.multi_reduction <maximumf>, %select_n3A_676, %reduce_max3A_677 [0] : vector<1000x128xf32> to vector<128xf32>
    %broadcast_in_dim3A_679 = vector.shape_cast %reduce_max3A_678 : vector<128xf32> to vector<1x128xf32>
    %get3A_680 = arith.constant 34 : index
    %get3A_681 = arith.constant 0 : index
    %get3A_682 = vector.load %arg6[%get3A_680, %get3A_681] : memref<64x128xf32, #tpu.memory_space<vmem>>, vector<1x128xf32>
    %max3A_683 = arith.maximumf %get3A_682, %broadcast_in_dim3A_679 : vector<1x128xf32>
    %swap3A_684 = arith.constant 34 : index
    %swap3A_685 = arith.constant 0 : index
    %swap3A_686 = vector.load %arg6[%swap3A_684, %swap3A_685] : memref<64x128xf32, #tpu.memory_space<vmem>>, vector<1x128xf32>
    tpu.vector_store %arg6[%swap3A_684, %swap3A_685], %max3A_683 {strides = array<i32>} : memref<64x128xf32, #tpu.memory_space<vmem>>, vector<1x128xf32>,
    %eq3A_687 = arith.constant 35 : i32
    %eq3A_688 = vector.broadcast %eq3A_687 : i32 to vector<1000x1xi32>
    %eq3A_689 = arith.cmpi eq, %get3A_38, %eq3A_688 : vector<1000x1xi32>
    %jit3A_690 = arith.constant 0xFF800000 : f32
    %broadcast_in_dim3A_691 = vector.shape_cast %eq3A_689 : vector<1000x1xi1> to vector<1000x1xi1>
    %broadcast_in_dim3A_692 = vector.broadcast %broadcast_in_dim3A_691 : vector<1000x1xi1> to vector<1000x128xi1>
    %broadcast_in_dim3A_693 = vector.broadcast %jit3A_690 : f32 to vector<1000x128xf32>
    %select_n3A_694 = arith.select %broadcast_in_dim3A_692, %max3A_35, %broadcast_in_dim3A_693 : vector<1000x128xi1>, vector<1000x128xf32>
    %reduce_max3A_695 = arith.constant dense<0xFF800000> : vector<128xf32>
    %reduce_max3A_696 = vector.multi_reduction <maximumf>, %select_n3A_694, %reduce_max3A_695 [0] : vector<1000x128xf32> to vector<128xf32>
    %broadcast_in_dim3A_697 = vector.shape_cast %reduce_max3A_696 : vector<128xf32> to vector<1x128xf32>
    %get3A_698 = arith.constant 35 : index
    %get3A_699 = arith.constant 0 : index
    %get3A_700 = vector.load %arg6[%get3A_698, %get3A_699] : memref<64x128xf32, #tpu.memory_space<vmem>>, vector<1x128xf32>
    %max3A_701 = arith.maximumf %get3A_700, %broadcast_in_dim3A_697 : vector<1x128xf32>
    %swap3A_702 = arith.constant 35 : index
    %swap3A_703 = arith.constant 0 : index
    %swap3A_704 = vector.load %arg6[%swap3A_702, %swap3A_703] : memref<64x128xf32, #tpu.memory_space<vmem>>, vector<1x128xf32>
    tpu.vector_store %arg6[%swap3A_702, %swap3A_703], %max3A_701 {strides = array<i32>} : memref<64x128xf32, #tpu.memory_space<vmem>>, vector<1x128xf32>,
    %eq3A_705 = arith.constant 36 : i32
    %eq3A_706 = vector.broadcast %eq3A_705 : i32 to vector<1000x1xi32>
    %eq3A_707 = arith.cmpi eq, %get3A_38, %eq3A_706 : vector<1000x1xi32>
    %jit3A_708 = arith.constant 0xFF800000 : f32
    %broadcast_in_dim3A_709 = vector.shape_cast %eq3A_707 : vector<1000x1xi1> to vector<1000x1xi1>
    %broadcast_in_dim3A_710 = vector.broadcast %broadcast_in_dim3A_709 : vector<1000x1xi1> to vector<1000x128xi1>
    %broadcast_in_dim3A_711 = vector.broadcast %jit3A_708 : f32 to vector<1000x128xf32>
    %select_n3A_712 = arith.select %broadcast_in_dim3A_710, %max3A_35, %broadcast_in_dim3A_711 : vector<1000x128xi1>, vector<1000x128xf32>
    %reduce_max3A_713 = arith.constant dense<0xFF800000> : vector<128xf32>
    %reduce_max3A_714 = vector.multi_reduction <maximumf>, %select_n3A_712, %reduce_max3A_713 [0] : vector<1000x128xf32> to vector<128xf32>
    %broadcast_in_dim3A_715 = vector.shape_cast %reduce_max3A_714 : vector<128xf32> to vector<1x128xf32>
    %get3A_716 = arith.constant 36 : index
    %get3A_717 = arith.constant 0 : index
    %get3A_718 = vector.load %arg6[%get3A_716, %get3A_717] : memref<64x128xf32, #tpu.memory_space<vmem>>, vector<1x128xf32>
    %max3A_719 = arith.maximumf %get3A_718, %broadcast_in_dim3A_715 : vector<1x128xf32>
    %swap3A_720 = arith.constant 36 : index
    %swap3A_721 = arith.constant 0 : index
    %swap3A_722 = vector.load %arg6[%swap3A_720, %swap3A_721] : memref<64x128xf32, #tpu.memory_space<vmem>>, vector<1x128xf32>
    tpu.vector_store %arg6[%swap3A_720, %swap3A_721], %max3A_719 {strides = array<i32>} : memref<64x128xf32, #tpu.memory_space<vmem>>, vector<1x128xf32>,
    %eq3A_723 = arith.constant 37 : i32
    %eq3A_724 = vector.broadcast %eq3A_723 : i32 to vector<1000x1xi32>
    %eq3A_725 = arith.cmpi eq, %get3A_38, %eq3A_724 : vector<1000x1xi32>
    %jit3A_726 = arith.constant 0xFF800000 : f32
    %broadcast_in_dim3A_727 = vector.shape_cast %eq3A_725 : vector<1000x1xi1> to vector<1000x1xi1>
    %broadcast_in_dim3A_728 = vector.broadcast %broadcast_in_dim3A_727 : vector<1000x1xi1> to vector<1000x128xi1>
    %broadcast_in_dim3A_729 = vector.broadcast %jit3A_726 : f32 to vector<1000x128xf32>
    %select_n3A_730 = arith.select %broadcast_in_dim3A_728, %max3A_35, %broadcast_in_dim3A_729 : vector<1000x128xi1>, vector<1000x128xf32>
    %reduce_max3A_731 = arith.constant dense<0xFF800000> : vector<128xf32>
    %reduce_max3A_732 = vector.multi_reduction <maximumf>, %select_n3A_730, %reduce_max3A_731 [0] : vector<1000x128xf32> to vector<128xf32>
    %broadcast_in_dim3A_733 = vector.shape_cast %reduce_max3A_732 : vector<128xf32> to vector<1x128xf32>
    %get3A_734 = arith.constant 37 : index
    %get3A_735 = arith.constant 0 : index
    %get3A_736 = vector.load %arg6[%get3A_734, %get3A_735] : memref<64x128xf32, #tpu.memory_space<vmem>>, vector<1x128xf32>
    %max3A_737 = arith.maximumf %get3A_736, %broadcast_in_dim3A_733 : vector<1x128xf32>
    %swap3A_738 = arith.constant 37 : index
    %swap3A_739 = arith.constant 0 : index
    %swap3A_740 = vector.load %arg6[%swap3A_738, %swap3A_739] : memref<64x128xf32, #tpu.memory_space<vmem>>, vector<1x128xf32>
    tpu.vector_store %arg6[%swap3A_738, %swap3A_739], %max3A_737 {strides = array<i32>} : memref<64x128xf32, #tpu.memory_space<vmem>>, vector<1x128xf32>,
    %eq3A_741 = arith.constant 38 : i32
    %eq3A_742 = vector.broadcast %eq3A_741 : i32 to vector<1000x1xi32>
    %eq3A_743 = arith.cmpi eq, %get3A_38, %eq3A_742 : vector<1000x1xi32>
    %jit3A_744 = arith.constant 0xFF800000 : f32
    %broadcast_in_dim3A_745 = vector.shape_cast %eq3A_743 : vector<1000x1xi1> to vector<1000x1xi1>
    %broadcast_in_dim3A_746 = vector.broadcast %broadcast_in_dim3A_745 : vector<1000x1xi1> to vector<1000x128xi1>
    %broadcast_in_dim3A_747 = vector.broadcast %jit3A_744 : f32 to vector<1000x128xf32>
    %select_n3A_748 = arith.select %broadcast_in_dim3A_746, %max3A_35, %broadcast_in_dim3A_747 : vector<1000x128xi1>, vector<1000x128xf32>
    %reduce_max3A_749 = arith.constant dense<0xFF800000> : vector<128xf32>
    %reduce_max3A_750 = vector.multi_reduction <maximumf>, %select_n3A_748, %reduce_max3A_749 [0] : vector<1000x128xf32> to vector<128xf32>
    %broadcast_in_dim3A_751 = vector.shape_cast %reduce_max3A_750 : vector<128xf32> to vector<1x128xf32>
    %get3A_752 = arith.constant 38 : index
    %get3A_753 = arith.constant 0 : index
    %get3A_754 = vector.load %arg6[%get3A_752, %get3A_753] : memref<64x128xf32, #tpu.memory_space<vmem>>, vector<1x128xf32>
    %max3A_755 = arith.maximumf %get3A_754, %broadcast_in_dim3A_751 : vector<1x128xf32>
    %swap3A_756 = arith.constant 38 : index
    %swap3A_757 = arith.constant 0 : index
    %swap3A_758 = vector.load %arg6[%swap3A_756, %swap3A_757] : memref<64x128xf32, #tpu.memory_space<vmem>>, vector<1x128xf32>
    tpu.vector_store %arg6[%swap3A_756, %swap3A_757], %max3A_755 {strides = array<i32>} : memref<64x128xf32, #tpu.memory_space<vmem>>, vector<1x128xf32>,
    %eq3A_759 = arith.constant 39 : i32
    %eq3A_760 = vector.broadcast %eq3A_759 : i32 to vector<1000x1xi32>
    %eq3A_761 = arith.cmpi eq, %get3A_38, %eq3A_760 : vector<1000x1xi32>
    %jit3A_762 = arith.constant 0xFF800000 : f32
    %broadcast_in_dim3A_763 = vector.shape_cast %eq3A_761 : vector<1000x1xi1> to vector<1000x1xi1>
    %broadcast_in_dim3A_764 = vector.broadcast %broadcast_in_dim3A_763 : vector<1000x1xi1> to vector<1000x128xi1>
    %broadcast_in_dim3A_765 = vector.broadcast %jit3A_762 : f32 to vector<1000x128xf32>
    %select_n3A_766 = arith.select %broadcast_in_dim3A_764, %max3A_35, %broadcast_in_dim3A_765 : vector<1000x128xi1>, vector<1000x128xf32>
    %reduce_max3A_767 = arith.constant dense<0xFF800000> : vector<128xf32>
    %reduce_max3A_768 = vector.multi_reduction <maximumf>, %select_n3A_766, %reduce_max3A_767 [0] : vector<1000x128xf32> to vector<128xf32>
    %broadcast_in_dim3A_769 = vector.shape_cast %reduce_max3A_768 : vector<128xf32> to vector<1x128xf32>
    %get3A_770 = arith.constant 39 : index
    %get3A_771 = arith.constant 0 : index
    %get3A_772 = vector.load %arg6[%get3A_770, %get3A_771] : memref<64x128xf32, #tpu.memory_space<vmem>>, vector<1x128xf32>
    %max3A_773 = arith.maximumf %get3A_772, %broadcast_in_dim3A_769 : vector<1x128xf32>
    %swap3A_774 = arith.constant 39 : index
    %swap3A_775 = arith.constant 0 : index
    %swap3A_776 = vector.load %arg6[%swap3A_774, %swap3A_775] : memref<64x128xf32, #tpu.memory_space<vmem>>, vector<1x128xf32>
    tpu.vector_store %arg6[%swap3A_774, %swap3A_775], %max3A_773 {strides = array<i32>} : memref<64x128xf32, #tpu.memory_space<vmem>>, vector<1x128xf32>,
    %eq3A_777 = arith.constant 40 : i32
    %eq3A_778 = vector.broadcast %eq3A_777 : i32 to vector<1000x1xi32>
    %eq3A_779 = arith.cmpi eq, %get3A_38, %eq3A_778 : vector<1000x1xi32>
    %jit3A_780 = arith.constant 0xFF800000 : f32
    %broadcast_in_dim3A_781 = vector.shape_cast %eq3A_779 : vector<1000x1xi1> to vector<1000x1xi1>
    %broadcast_in_dim3A_782 = vector.broadcast %broadcast_in_dim3A_781 : vector<1000x1xi1> to vector<1000x128xi1>
    %broadcast_in_dim3A_783 = vector.broadcast %jit3A_780 : f32 to vector<1000x128xf32>
    %select_n3A_784 = arith.select %broadcast_in_dim3A_782, %max3A_35, %broadcast_in_dim3A_783 : vector<1000x128xi1>, vector<1000x128xf32>
    %reduce_max3A_785 = arith.constant dense<0xFF800000> : vector<128xf32>
    %reduce_max3A_786 = vector.multi_reduction <maximumf>, %select_n3A_784, %reduce_max3A_785 [0] : vector<1000x128xf32> to vector<128xf32>
    %broadcast_in_dim3A_787 = vector.shape_cast %reduce_max3A_786 : vector<128xf32> to vector<1x128xf32>
    %get3A_788 = arith.constant 40 : index
    %get3A_789 = arith.constant 0 : index
    %get3A_790 = vector.load %arg6[%get3A_788, %get3A_789] : memref<64x128xf32, #tpu.memory_space<vmem>>, vector<1x128xf32>
    %max3A_791 = arith.maximumf %get3A_790, %broadcast_in_dim3A_787 : vector<1x128xf32>
    %swap3A_792 = arith.constant 40 : index
    %swap3A_793 = arith.constant 0 : index
    %swap3A_794 = vector.load %arg6[%swap3A_792, %swap3A_793] : memref<64x128xf32, #tpu.memory_space<vmem>>, vector<1x128xf32>
    tpu.vector_store %arg6[%swap3A_792, %swap3A_793], %max3A_791 {strides = array<i32>} : memref<64x128xf32, #tpu.memory_space<vmem>>, vector<1x128xf32>,
    %eq3A_795 = arith.constant 41 : i32
    %eq3A_796 = vector.broadcast %eq3A_795 : i32 to vector<1000x1xi32>
    %eq3A_797 = arith.cmpi eq, %get3A_38, %eq3A_796 : vector<1000x1xi32>
    %jit3A_798 = arith.constant 0xFF800000 : f32
    %broadcast_in_dim3A_799 = vector.shape_cast %eq3A_797 : vector<1000x1xi1> to vector<1000x1xi1>
    %broadcast_in_dim3A_800 = vector.broadcast %broadcast_in_dim3A_799 : vector<1000x1xi1> to vector<1000x128xi1>
    %broadcast_in_dim3A_801 = vector.broadcast %jit3A_798 : f32 to vector<1000x128xf32>
    %select_n3A_802 = arith.select %broadcast_in_dim3A_800, %max3A_35, %broadcast_in_dim3A_801 : vector<1000x128xi1>, vector<1000x128xf32>
    %reduce_max3A_803 = arith.constant dense<0xFF800000> : vector<128xf32>
    %reduce_max3A_804 = vector.multi_reduction <maximumf>, %select_n3A_802, %reduce_max3A_803 [0] : vector<1000x128xf32> to vector<128xf32>
    %broadcast_in_dim3A_805 = vector.shape_cast %reduce_max3A_804 : vector<128xf32> to vector<1x128xf32>
    %get3A_806 = arith.constant 41 : index
    %get3A_807 = arith.constant 0 : index
    %get3A_808 = vector.load %arg6[%get3A_806, %get3A_807] : memref<64x128xf32, #tpu.memory_space<vmem>>, vector<1x128xf32>
    %max3A_809 = arith.maximumf %get3A_808, %broadcast_in_dim3A_805 : vector<1x128xf32>
    %swap3A_810 = arith.constant 41 : index
    %swap3A_811 = arith.constant 0 : index
    %swap3A_812 = vector.load %arg6[%swap3A_810, %swap3A_811] : memref<64x128xf32, #tpu.memory_space<vmem>>, vector<1x128xf32>
    tpu.vector_store %arg6[%swap3A_810, %swap3A_811], %max3A_809 {strides = array<i32>} : memref<64x128xf32, #tpu.memory_space<vmem>>, vector<1x128xf32>,
    %eq3A_813 = arith.constant 42 : i32
    %eq3A_814 = vector.broadcast %eq3A_813 : i32 to vector<1000x1xi32>
    %eq3A_815 = arith.cmpi eq, %get3A_38, %eq3A_814 : vector<1000x1xi32>
    %jit3A_816 = arith.constant 0xFF800000 : f32
    %broadcast_in_dim3A_817 = vector.shape_cast %eq3A_815 : vector<1000x1xi1> to vector<1000x1xi1>
    %broadcast_in_dim3A_818 = vector.broadcast %broadcast_in_dim3A_817 : vector<1000x1xi1> to vector<1000x128xi1>
    %broadcast_in_dim3A_819 = vector.broadcast %jit3A_816 : f32 to vector<1000x128xf32>
    %select_n3A_820 = arith.select %broadcast_in_dim3A_818, %max3A_35, %broadcast_in_dim3A_819 : vector<1000x128xi1>, vector<1000x128xf32>
    %reduce_max3A_821 = arith.constant dense<0xFF800000> : vector<128xf32>
    %reduce_max3A_822 = vector.multi_reduction <maximumf>, %select_n3A_820, %reduce_max3A_821 [0] : vector<1000x128xf32> to vector<128xf32>
    %broadcast_in_dim3A_823 = vector.shape_cast %reduce_max3A_822 : vector<128xf32> to vector<1x128xf32>
    %get3A_824 = arith.constant 42 : index
    %get3A_825 = arith.constant 0 : index
    %get3A_826 = vector.load %arg6[%get3A_824, %get3A_825] : memref<64x128xf32, #tpu.memory_space<vmem>>, vector<1x128xf32>
    %max3A_827 = arith.maximumf %get3A_826, %broadcast_in_dim3A_823 : vector<1x128xf32>
    %swap3A_828 = arith.constant 42 : index
    %swap3A_829 = arith.constant 0 : index
    %swap3A_830 = vector.load %arg6[%swap3A_828, %swap3A_829] : memref<64x128xf32, #tpu.memory_space<vmem>>, vector<1x128xf32>
    tpu.vector_store %arg6[%swap3A_828, %swap3A_829], %max3A_827 {strides = array<i32>} : memref<64x128xf32, #tpu.memory_space<vmem>>, vector<1x128xf32>,
    %eq3A_831 = arith.constant 43 : i32
    %eq3A_832 = vector.broadcast %eq3A_831 : i32 to vector<1000x1xi32>
    %eq3A_833 = arith.cmpi eq, %get3A_38, %eq3A_832 : vector<1000x1xi32>
    %jit3A_834 = arith.constant 0xFF800000 : f32
    %broadcast_in_dim3A_835 = vector.shape_cast %eq3A_833 : vector<1000x1xi1> to vector<1000x1xi1>
    %broadcast_in_dim3A_836 = vector.broadcast %broadcast_in_dim3A_835 : vector<1000x1xi1> to vector<1000x128xi1>
    %broadcast_in_dim3A_837 = vector.broadcast %jit3A_834 : f32 to vector<1000x128xf32>
    %select_n3A_838 = arith.select %broadcast_in_dim3A_836, %max3A_35, %broadcast_in_dim3A_837 : vector<1000x128xi1>, vector<1000x128xf32>
    %reduce_max3A_839 = arith.constant dense<0xFF800000> : vector<128xf32>
    %reduce_max3A_840 = vector.multi_reduction <maximumf>, %select_n3A_838, %reduce_max3A_839 [0] : vector<1000x128xf32> to vector<128xf32>
    %broadcast_in_dim3A_841 = vector.shape_cast %reduce_max3A_840 : vector<128xf32> to vector<1x128xf32>
    %get3A_842 = arith.constant 43 : index
    %get3A_843 = arith.constant 0 : index
    %get3A_844 = vector.load %arg6[%get3A_842, %get3A_843] : memref<64x128xf32, #tpu.memory_space<vmem>>, vector<1x128xf32>
    %max3A_845 = arith.maximumf %get3A_844, %broadcast_in_dim3A_841 : vector<1x128xf32>
    %swap3A_846 = arith.constant 43 : index
    %swap3A_847 = arith.constant 0 : index
    %swap3A_848 = vector.load %arg6[%swap3A_846, %swap3A_847] : memref<64x128xf32, #tpu.memory_space<vmem>>, vector<1x128xf32>
    tpu.vector_store %arg6[%swap3A_846, %swap3A_847], %max3A_845 {strides = array<i32>} : memref<64x128xf32, #tpu.memory_space<vmem>>, vector<1x128xf32>,
    %eq3A_849 = arith.constant 44 : i32
    %eq3A_850 = vector.broadcast %eq3A_849 : i32 to vector<1000x1xi32>
    %eq3A_851 = arith.cmpi eq, %get3A_38, %eq3A_850 : vector<1000x1xi32>
    %jit3A_852 = arith.constant 0xFF800000 : f32
    %broadcast_in_dim3A_853 = vector.shape_cast %eq3A_851 : vector<1000x1xi1> to vector<1000x1xi1>
    %broadcast_in_dim3A_854 = vector.broadcast %broadcast_in_dim3A_853 : vector<1000x1xi1> to vector<1000x128xi1>
    %broadcast_in_dim3A_855 = vector.broadcast %jit3A_852 : f32 to vector<1000x128xf32>
    %select_n3A_856 = arith.select %broadcast_in_dim3A_854, %max3A_35, %broadcast_in_dim3A_855 : vector<1000x128xi1>, vector<1000x128xf32>
    %reduce_max3A_857 = arith.constant dense<0xFF800000> : vector<128xf32>
    %reduce_max3A_858 = vector.multi_reduction <maximumf>, %select_n3A_856, %reduce_max3A_857 [0] : vector<1000x128xf32> to vector<128xf32>
    %broadcast_in_dim3A_859 = vector.shape_cast %reduce_max3A_858 : vector<128xf32> to vector<1x128xf32>
    %get3A_860 = arith.constant 44 : index
    %get3A_861 = arith.constant 0 : index
    %get3A_862 = vector.load %arg6[%get3A_860, %get3A_861] : memref<64x128xf32, #tpu.memory_space<vmem>>, vector<1x128xf32>
    %max3A_863 = arith.maximumf %get3A_862, %broadcast_in_dim3A_859 : vector<1x128xf32>
    %swap3A_864 = arith.constant 44 : index
    %swap3A_865 = arith.constant 0 : index
    %swap3A_866 = vector.load %arg6[%swap3A_864, %swap3A_865] : memref<64x128xf32, #tpu.memory_space<vmem>>, vector<1x128xf32>
    tpu.vector_store %arg6[%swap3A_864, %swap3A_865], %max3A_863 {strides = array<i32>} : memref<64x128xf32, #tpu.memory_space<vmem>>, vector<1x128xf32>,
    %eq3A_867 = arith.constant 45 : i32
    %eq3A_868 = vector.broadcast %eq3A_867 : i32 to vector<1000x1xi32>
    %eq3A_869 = arith.cmpi eq, %get3A_38, %eq3A_868 : vector<1000x1xi32>
    %jit3A_870 = arith.constant 0xFF800000 : f32
    %broadcast_in_dim3A_871 = vector.shape_cast %eq3A_869 : vector<1000x1xi1> to vector<1000x1xi1>
    %broadcast_in_dim3A_872 = vector.broadcast %broadcast_in_dim3A_871 : vector<1000x1xi1> to vector<1000x128xi1>
    %broadcast_in_dim3A_873 = vector.broadcast %jit3A_870 : f32 to vector<1000x128xf32>
    %select_n3A_874 = arith.select %broadcast_in_dim3A_872, %max3A_35, %broadcast_in_dim3A_873 : vector<1000x128xi1>, vector<1000x128xf32>
    %reduce_max3A_875 = arith.constant dense<0xFF800000> : vector<128xf32>
    %reduce_max3A_876 = vector.multi_reduction <maximumf>, %select_n3A_874, %reduce_max3A_875 [0] : vector<1000x128xf32> to vector<128xf32>
    %broadcast_in_dim3A_877 = vector.shape_cast %reduce_max3A_876 : vector<128xf32> to vector<1x128xf32>
    %get3A_878 = arith.constant 45 : index
    %get3A_879 = arith.constant 0 : index
    %get3A_880 = vector.load %arg6[%get3A_878, %get3A_879] : memref<64x128xf32, #tpu.memory_space<vmem>>, vector<1x128xf32>
    %max3A_881 = arith.maximumf %get3A_880, %broadcast_in_dim3A_877 : vector<1x128xf32>
    %swap3A_882 = arith.constant 45 : index
    %swap3A_883 = arith.constant 0 : index
    %swap3A_884 = vector.load %arg6[%swap3A_882, %swap3A_883] : memref<64x128xf32, #tpu.memory_space<vmem>>, vector<1x128xf32>
    tpu.vector_store %arg6[%swap3A_882, %swap3A_883], %max3A_881 {strides = array<i32>} : memref<64x128xf32, #tpu.memory_space<vmem>>, vector<1x128xf32>,
    %eq3A_885 = arith.constant 46 : i32
    %eq3A_886 = vector.broadcast %eq3A_885 : i32 to vector<1000x1xi32>
    %eq3A_887 = arith.cmpi eq, %get3A_38, %eq3A_886 : vector<1000x1xi32>
    %jit3A_888 = arith.constant 0xFF800000 : f32
    %broadcast_in_dim3A_889 = vector.shape_cast %eq3A_887 : vector<1000x1xi1> to vector<1000x1xi1>
    %broadcast_in_dim3A_890 = vector.broadcast %broadcast_in_dim3A_889 : vector<1000x1xi1> to vector<1000x128xi1>
    %broadcast_in_dim3A_891 = vector.broadcast %jit3A_888 : f32 to vector<1000x128xf32>
    %select_n3A_892 = arith.select %broadcast_in_dim3A_890, %max3A_35, %broadcast_in_dim3A_891 : vector<1000x128xi1>, vector<1000x128xf32>
    %reduce_max3A_893 = arith.constant dense<0xFF800000> : vector<128xf32>
    %reduce_max3A_894 = vector.multi_reduction <maximumf>, %select_n3A_892, %reduce_max3A_893 [0] : vector<1000x128xf32> to vector<128xf32>
    %broadcast_in_dim3A_895 = vector.shape_cast %reduce_max3A_894 : vector<128xf32> to vector<1x128xf32>
    %get3A_896 = arith.constant 46 : index
    %get3A_897 = arith.constant 0 : index
    %get3A_898 = vector.load %arg6[%get3A_896, %get3A_897] : memref<64x128xf32, #tpu.memory_space<vmem>>, vector<1x128xf32>
    %max3A_899 = arith.maximumf %get3A_898, %broadcast_in_dim3A_895 : vector<1x128xf32>
    %swap3A_900 = arith.constant 46 : index
    %swap3A_901 = arith.constant 0 : index
    %swap3A_902 = vector.load %arg6[%swap3A_900, %swap3A_901] : memref<64x128xf32, #tpu.memory_space<vmem>>, vector<1x128xf32>
    tpu.vector_store %arg6[%swap3A_900, %swap3A_901], %max3A_899 {strides = array<i32>} : memref<64x128xf32, #tpu.memory_space<vmem>>, vector<1x128xf32>,
    %eq3A_903 = arith.constant 47 : i32
    %eq3A_904 = vector.broadcast %eq3A_903 : i32 to vector<1000x1xi32>
    %eq3A_905 = arith.cmpi eq, %get3A_38, %eq3A_904 : vector<1000x1xi32>
    %jit3A_906 = arith.constant 0xFF800000 : f32
    %broadcast_in_dim3A_907 = vector.shape_cast %eq3A_905 : vector<1000x1xi1> to vector<1000x1xi1>
    %broadcast_in_dim3A_908 = vector.broadcast %broadcast_in_dim3A_907 : vector<1000x1xi1> to vector<1000x128xi1>
    %broadcast_in_dim3A_909 = vector.broadcast %jit3A_906 : f32 to vector<1000x128xf32>
    %select_n3A_910 = arith.select %broadcast_in_dim3A_908, %max3A_35, %broadcast_in_dim3A_909 : vector<1000x128xi1>, vector<1000x128xf32>
    %reduce_max3A_911 = arith.constant dense<0xFF800000> : vector<128xf32>
    %reduce_max3A_912 = vector.multi_reduction <maximumf>, %select_n3A_910, %reduce_max3A_911 [0] : vector<1000x128xf32> to vector<128xf32>
    %broadcast_in_dim3A_913 = vector.shape_cast %reduce_max3A_912 : vector<128xf32> to vector<1x128xf32>
    %get3A_914 = arith.constant 47 : index
    %get3A_915 = arith.constant 0 : index
    %get3A_916 = vector.load %arg6[%get3A_914, %get3A_915] : memref<64x128xf32, #tpu.memory_space<vmem>>, vector<1x128xf32>
    %max3A_917 = arith.maximumf %get3A_916, %broadcast_in_dim3A_913 : vector<1x128xf32>
    %swap3A_918 = arith.constant 47 : index
    %swap3A_919 = arith.constant 0 : index
    %swap3A_920 = vector.load %arg6[%swap3A_918, %swap3A_919] : memref<64x128xf32, #tpu.memory_space<vmem>>, vector<1x128xf32>
    tpu.vector_store %arg6[%swap3A_918, %swap3A_919], %max3A_917 {strides = array<i32>} : memref<64x128xf32, #tpu.memory_space<vmem>>, vector<1x128xf32>,
    %eq3A_921 = arith.constant 48 : i32
    %eq3A_922 = vector.broadcast %eq3A_921 : i32 to vector<1000x1xi32>
    %eq3A_923 = arith.cmpi eq, %get3A_38, %eq3A_922 : vector<1000x1xi32>
    %jit3A_924 = arith.constant 0xFF800000 : f32
    %broadcast_in_dim3A_925 = vector.shape_cast %eq3A_923 : vector<1000x1xi1> to vector<1000x1xi1>
    %broadcast_in_dim3A_926 = vector.broadcast %broadcast_in_dim3A_925 : vector<1000x1xi1> to vector<1000x128xi1>
    %broadcast_in_dim3A_927 = vector.broadcast %jit3A_924 : f32 to vector<1000x128xf32>
    %select_n3A_928 = arith.select %broadcast_in_dim3A_926, %max3A_35, %broadcast_in_dim3A_927 : vector<1000x128xi1>, vector<1000x128xf32>
    %reduce_max3A_929 = arith.constant dense<0xFF800000> : vector<128xf32>
    %reduce_max3A_930 = vector.multi_reduction <maximumf>, %select_n3A_928, %reduce_max3A_929 [0] : vector<1000x128xf32> to vector<128xf32>
    %broadcast_in_dim3A_931 = vector.shape_cast %reduce_max3A_930 : vector<128xf32> to vector<1x128xf32>
    %get3A_932 = arith.constant 48 : index
    %get3A_933 = arith.constant 0 : index
    %get3A_934 = vector.load %arg6[%get3A_932, %get3A_933] : memref<64x128xf32, #tpu.memory_space<vmem>>, vector<1x128xf32>
    %max3A_935 = arith.maximumf %get3A_934, %broadcast_in_dim3A_931 : vector<1x128xf32>
    %swap3A_936 = arith.constant 48 : index
    %swap3A_937 = arith.constant 0 : index
    %swap3A_938 = vector.load %arg6[%swap3A_936, %swap3A_937] : memref<64x128xf32, #tpu.memory_space<vmem>>, vector<1x128xf32>
    tpu.vector_store %arg6[%swap3A_936, %swap3A_937], %max3A_935 {strides = array<i32>} : memref<64x128xf32, #tpu.memory_space<vmem>>, vector<1x128xf32>,
    %eq3A_939 = arith.constant 49 : i32
    %eq3A_940 = vector.broadcast %eq3A_939 : i32 to vector<1000x1xi32>
    %eq3A_941 = arith.cmpi eq, %get3A_38, %eq3A_940 : vector<1000x1xi32>
    %jit3A_942 = arith.constant 0xFF800000 : f32
    %broadcast_in_dim3A_943 = vector.shape_cast %eq3A_941 : vector<1000x1xi1> to vector<1000x1xi1>
    %broadcast_in_dim3A_944 = vector.broadcast %broadcast_in_dim3A_943 : vector<1000x1xi1> to vector<1000x128xi1>
    %broadcast_in_dim3A_945 = vector.broadcast %jit3A_942 : f32 to vector<1000x128xf32>
    %select_n3A_946 = arith.select %broadcast_in_dim3A_944, %max3A_35, %broadcast_in_dim3A_945 : vector<1000x128xi1>, vector<1000x128xf32>
    %reduce_max3A_947 = arith.constant dense<0xFF800000> : vector<128xf32>
    %reduce_max3A_948 = vector.multi_reduction <maximumf>, %select_n3A_946, %reduce_max3A_947 [0] : vector<1000x128xf32> to vector<128xf32>
    %broadcast_in_dim3A_949 = vector.shape_cast %reduce_max3A_948 : vector<128xf32> to vector<1x128xf32>
    %get3A_950 = arith.constant 49 : index
    %get3A_951 = arith.constant 0 : index
    %get3A_952 = vector.load %arg6[%get3A_950, %get3A_951] : memref<64x128xf32, #tpu.memory_space<vmem>>, vector<1x128xf32>
    %max3A_953 = arith.maximumf %get3A_952, %broadcast_in_dim3A_949 : vector<1x128xf32>
    %swap3A_954 = arith.constant 49 : index
    %swap3A_955 = arith.constant 0 : index
    %swap3A_956 = vector.load %arg6[%swap3A_954, %swap3A_955] : memref<64x128xf32, #tpu.memory_space<vmem>>, vector<1x128xf32>
    tpu.vector_store %arg6[%swap3A_954, %swap3A_955], %max3A_953 {strides = array<i32>} : memref<64x128xf32, #tpu.memory_space<vmem>>, vector<1x128xf32>,
    %eq3A_957 = arith.constant 50 : i32
    %eq3A_958 = vector.broadcast %eq3A_957 : i32 to vector<1000x1xi32>
    %eq3A_959 = arith.cmpi eq, %get3A_38, %eq3A_958 : vector<1000x1xi32>
    %jit3A_960 = arith.constant 0xFF800000 : f32
    %broadcast_in_dim3A_961 = vector.shape_cast %eq3A_959 : vector<1000x1xi1> to vector<1000x1xi1>
    %broadcast_in_dim3A_962 = vector.broadcast %broadcast_in_dim3A_961 : vector<1000x1xi1> to vector<1000x128xi1>
    %broadcast_in_dim3A_963 = vector.broadcast %jit3A_960 : f32 to vector<1000x128xf32>
    %select_n3A_964 = arith.select %broadcast_in_dim3A_962, %max3A_35, %broadcast_in_dim3A_963 : vector<1000x128xi1>, vector<1000x128xf32>
    %reduce_max3A_965 = arith.constant dense<0xFF800000> : vector<128xf32>
    %reduce_max3A_966 = vector.multi_reduction <maximumf>, %select_n3A_964, %reduce_max3A_965 [0] : vector<1000x128xf32> to vector<128xf32>
    %broadcast_in_dim3A_967 = vector.shape_cast %reduce_max3A_966 : vector<128xf32> to vector<1x128xf32>
    %get3A_968 = arith.constant 50 : index
    %get3A_969 = arith.constant 0 : index
    %get3A_970 = vector.load %arg6[%get3A_968, %get3A_969] : memref<64x128xf32, #tpu.memory_space<vmem>>, vector<1x128xf32>
    %max3A_971 = arith.maximumf %get3A_970, %broadcast_in_dim3A_967 : vector<1x128xf32>
    %swap3A_972 = arith.constant 50 : index
    %swap3A_973 = arith.constant 0 : index
    %swap3A_974 = vector.load %arg6[%swap3A_972, %swap3A_973] : memref<64x128xf32, #tpu.memory_space<vmem>>, vector<1x128xf32>
    tpu.vector_store %arg6[%swap3A_972, %swap3A_973], %max3A_971 {strides = array<i32>} : memref<64x128xf32, #tpu.memory_space<vmem>>, vector<1x128xf32>,
    %eq3A_975 = arith.constant 51 : i32
    %eq3A_976 = vector.broadcast %eq3A_975 : i32 to vector<1000x1xi32>
    %eq3A_977 = arith.cmpi eq, %get3A_38, %eq3A_976 : vector<1000x1xi32>
    %jit3A_978 = arith.constant 0xFF800000 : f32
    %broadcast_in_dim3A_979 = vector.shape_cast %eq3A_977 : vector<1000x1xi1> to vector<1000x1xi1>
    %broadcast_in_dim3A_980 = vector.broadcast %broadcast_in_dim3A_979 : vector<1000x1xi1> to vector<1000x128xi1>
    %broadcast_in_dim3A_981 = vector.broadcast %jit3A_978 : f32 to vector<1000x128xf32>
    %select_n3A_982 = arith.select %broadcast_in_dim3A_980, %max3A_35, %broadcast_in_dim3A_981 : vector<1000x128xi1>, vector<1000x128xf32>
    %reduce_max3A_983 = arith.constant dense<0xFF800000> : vector<128xf32>
    %reduce_max3A_984 = vector.multi_reduction <maximumf>, %select_n3A_982, %reduce_max3A_983 [0] : vector<1000x128xf32> to vector<128xf32>
    %broadcast_in_dim3A_985 = vector.shape_cast %reduce_max3A_984 : vector<128xf32> to vector<1x128xf32>
    %get3A_986 = arith.constant 51 : index
    %get3A_987 = arith.constant 0 : index
    %get3A_988 = vector.load %arg6[%get3A_986, %get3A_987] : memref<64x128xf32, #tpu.memory_space<vmem>>, vector<1x128xf32>
    %max3A_989 = arith.maximumf %get3A_988, %broadcast_in_dim3A_985 : vector<1x128xf32>
    %swap3A_990 = arith.constant 51 : index
    %swap3A_991 = arith.constant 0 : index
    %swap3A_992 = vector.load %arg6[%swap3A_990, %swap3A_991] : memref<64x128xf32, #tpu.memory_space<vmem>>, vector<1x128xf32>
    tpu.vector_store %arg6[%swap3A_990, %swap3A_991], %max3A_989 {strides = array<i32>} : memref<64x128xf32, #tpu.memory_space<vmem>>, vector<1x128xf32>,
    %eq3A_993 = arith.constant 52 : i32
    %eq3A_994 = vector.broadcast %eq3A_993 : i32 to vector<1000x1xi32>
    %eq3A_995 = arith.cmpi eq, %get3A_38, %eq3A_994 : vector<1000x1xi32>
    %jit3A_996 = arith.constant 0xFF800000 : f32
    %broadcast_in_dim3A_997 = vector.shape_cast %eq3A_995 : vector<1000x1xi1> to vector<1000x1xi1>
    %broadcast_in_dim3A_998 = vector.broadcast %broadcast_in_dim3A_997 : vector<1000x1xi1> to vector<1000x128xi1>
    %broadcast_in_dim3A_999 = vector.broadcast %jit3A_996 : f32 to vector<1000x128xf32>
    %select_n3A_1000 = arith.select %broadcast_in_dim3A_998, %max3A_35, %broadcast_in_dim3A_999 : vector<1000x128xi1>, vector<1000x128xf32>
    %reduce_max3A_1001 = arith.constant dense<0xFF800000> : vector<128xf32>
    %reduce_max3A_1002 = vector.multi_reduction <maximumf>, %select_n3A_1000, %reduce_max3A_1001 [0] : vector<1000x128xf32> to vector<128xf32>
    %broadcast_in_dim3A_1003 = vector.shape_cast %reduce_max3A_1002 : vector<128xf32> to vector<1x128xf32>
    %get3A_1004 = arith.constant 52 : index
    %get3A_1005 = arith.constant 0 : index
    %get3A_1006 = vector.load %arg6[%get3A_1004, %get3A_1005] : memref<64x128xf32, #tpu.memory_space<vmem>>, vector<1x128xf32>
    %max3A_1007 = arith.maximumf %get3A_1006, %broadcast_in_dim3A_1003 : vector<1x128xf32>
    %swap3A_1008 = arith.constant 52 : index
    %swap3A_1009 = arith.constant 0 : index
    %swap3A_1010 = vector.load %arg6[%swap3A_1008, %swap3A_1009] : memref<64x128xf32, #tpu.memory_space<vmem>>, vector<1x128xf32>
    tpu.vector_store %arg6[%swap3A_1008, %swap3A_1009], %max3A_1007 {strides = array<i32>} : memref<64x128xf32, #tpu.memory_space<vmem>>, vector<1x128xf32>,
    %eq3A_1011 = arith.constant 53 : i32
    %eq3A_1012 = vector.broadcast %eq3A_1011 : i32 to vector<1000x1xi32>
    %eq3A_1013 = arith.cmpi eq, %get3A_38, %eq3A_1012 : vector<1000x1xi32>
    %jit3A_1014 = arith.constant 0xFF800000 : f32
    %broadcast_in_dim3A_1015 = vector.shape_cast %eq3A_1013 : vector<1000x1xi1> to vector<1000x1xi1>
    %broadcast_in_dim3A_1016 = vector.broadcast %broadcast_in_dim3A_1015 : vector<1000x1xi1> to vector<1000x128xi1>
    %broadcast_in_dim3A_1017 = vector.broadcast %jit3A_1014 : f32 to vector<1000x128xf32>
    %select_n3A_1018 = arith.select %broadcast_in_dim3A_1016, %max3A_35, %broadcast_in_dim3A_1017 : vector<1000x128xi1>, vector<1000x128xf32>
    %reduce_max3A_1019 = arith.constant dense<0xFF800000> : vector<128xf32>
    %reduce_max3A_1020 = vector.multi_reduction <maximumf>, %select_n3A_1018, %reduce_max3A_1019 [0] : vector<1000x128xf32> to vector<128xf32>
    %broadcast_in_dim3A_1021 = vector.shape_cast %reduce_max3A_1020 : vector<128xf32> to vector<1x128xf32>
    %get3A_1022 = arith.constant 53 : index
    %get3A_1023 = arith.constant 0 : index
    %get3A_1024 = vector.load %arg6[%get3A_1022, %get3A_1023] : memref<64x128xf32, #tpu.memory_space<vmem>>, vector<1x128xf32>
    %max3A_1025 = arith.maximumf %get3A_1024, %broadcast_in_dim3A_1021 : vector<1x128xf32>
    %swap3A_1026 = arith.constant 53 : index
    %swap3A_1027 = arith.constant 0 : index
    %swap3A_1028 = vector.load %arg6[%swap3A_1026, %swap3A_1027] : memref<64x128xf32, #tpu.memory_space<vmem>>, vector<1x128xf32>
    tpu.vector_store %arg6[%swap3A_1026, %swap3A_1027], %max3A_1025 {strides = array<i32>} : memref<64x128xf32, #tpu.memory_space<vmem>>, vector<1x128xf32>,
    %eq3A_1029 = arith.constant 54 : i32
    %eq3A_1030 = vector.broadcast %eq3A_1029 : i32 to vector<1000x1xi32>
    %eq3A_1031 = arith.cmpi eq, %get3A_38, %eq3A_1030 : vector<1000x1xi32>
    %jit3A_1032 = arith.constant 0xFF800000 : f32
    %broadcast_in_dim3A_1033 = vector.shape_cast %eq3A_1031 : vector<1000x1xi1> to vector<1000x1xi1>
    %broadcast_in_dim3A_1034 = vector.broadcast %broadcast_in_dim3A_1033 : vector<1000x1xi1> to vector<1000x128xi1>
    %broadcast_in_dim3A_1035 = vector.broadcast %jit3A_1032 : f32 to vector<1000x128xf32>
    %select_n3A_1036 = arith.select %broadcast_in_dim3A_1034, %max3A_35, %broadcast_in_dim3A_1035 : vector<1000x128xi1>, vector<1000x128xf32>
    %reduce_max3A_1037 = arith.constant dense<0xFF800000> : vector<128xf32>
    %reduce_max3A_1038 = vector.multi_reduction <maximumf>, %select_n3A_1036, %reduce_max3A_1037 [0] : vector<1000x128xf32> to vector<128xf32>
    %broadcast_in_dim3A_1039 = vector.shape_cast %reduce_max3A_1038 : vector<128xf32> to vector<1x128xf32>
    %get3A_1040 = arith.constant 54 : index
    %get3A_1041 = arith.constant 0 : index
    %get3A_1042 = vector.load %arg6[%get3A_1040, %get3A_1041] : memref<64x128xf32, #tpu.memory_space<vmem>>, vector<1x128xf32>
    %max3A_1043 = arith.maximumf %get3A_1042, %broadcast_in_dim3A_1039 : vector<1x128xf32>
    %swap3A_1044 = arith.constant 54 : index
    %swap3A_1045 = arith.constant 0 : index
    %swap3A_1046 = vector.load %arg6[%swap3A_1044, %swap3A_1045] : memref<64x128xf32, #tpu.memory_space<vmem>>, vector<1x128xf32>
    tpu.vector_store %arg6[%swap3A_1044, %swap3A_1045], %max3A_1043 {strides = array<i32>} : memref<64x128xf32, #tpu.memory_space<vmem>>, vector<1x128xf32>,
    %eq3A_1047 = arith.constant 55 : i32
    %eq3A_1048 = vector.broadcast %eq3A_1047 : i32 to vector<1000x1xi32>
    %eq3A_1049 = arith.cmpi eq, %get3A_38, %eq3A_1048 : vector<1000x1xi32>
    %jit3A_1050 = arith.constant 0xFF800000 : f32
    %broadcast_in_dim3A_1051 = vector.shape_cast %eq3A_1049 : vector<1000x1xi1> to vector<1000x1xi1>
    %broadcast_in_dim3A_1052 = vector.broadcast %broadcast_in_dim3A_1051 : vector<1000x1xi1> to vector<1000x128xi1>
    %broadcast_in_dim3A_1053 = vector.broadcast %jit3A_1050 : f32 to vector<1000x128xf32>
    %select_n3A_1054 = arith.select %broadcast_in_dim3A_1052, %max3A_35, %broadcast_in_dim3A_1053 : vector<1000x128xi1>, vector<1000x128xf32>
    %reduce_max3A_1055 = arith.constant dense<0xFF800000> : vector<128xf32>
    %reduce_max3A_1056 = vector.multi_reduction <maximumf>, %select_n3A_1054, %reduce_max3A_1055 [0] : vector<1000x128xf32> to vector<128xf32>
    %broadcast_in_dim3A_1057 = vector.shape_cast %reduce_max3A_1056 : vector<128xf32> to vector<1x128xf32>
    %get3A_1058 = arith.constant 55 : index
    %get3A_1059 = arith.constant 0 : index
    %get3A_1060 = vector.load %arg6[%get3A_1058, %get3A_1059] : memref<64x128xf32, #tpu.memory_space<vmem>>, vector<1x128xf32>
    %max3A_1061 = arith.maximumf %get3A_1060, %broadcast_in_dim3A_1057 : vector<1x128xf32>
    %swap3A_1062 = arith.constant 55 : index
    %swap3A_1063 = arith.constant 0 : index
    %swap3A_1064 = vector.load %arg6[%swap3A_1062, %swap3A_1063] : memref<64x128xf32, #tpu.memory_space<vmem>>, vector<1x128xf32>
    tpu.vector_store %arg6[%swap3A_1062, %swap3A_1063], %max3A_1061 {strides = array<i32>} : memref<64x128xf32, #tpu.memory_space<vmem>>, vector<1x128xf32>,
    %eq3A_1065 = arith.constant 56 : i32
    %eq3A_1066 = vector.broadcast %eq3A_1065 : i32 to vector<1000x1xi32>
    %eq3A_1067 = arith.cmpi eq, %get3A_38, %eq3A_1066 : vector<1000x1xi32>
    %jit3A_1068 = arith.constant 0xFF800000 : f32
    %broadcast_in_dim3A_1069 = vector.shape_cast %eq3A_1067 : vector<1000x1xi1> to vector<1000x1xi1>
    %broadcast_in_dim3A_1070 = vector.broadcast %broadcast_in_dim3A_1069 : vector<1000x1xi1> to vector<1000x128xi1>
    %broadcast_in_dim3A_1071 = vector.broadcast %jit3A_1068 : f32 to vector<1000x128xf32>
    %select_n3A_1072 = arith.select %broadcast_in_dim3A_1070, %max3A_35, %broadcast_in_dim3A_1071 : vector<1000x128xi1>, vector<1000x128xf32>
    %reduce_max3A_1073 = arith.constant dense<0xFF800000> : vector<128xf32>
    %reduce_max3A_1074 = vector.multi_reduction <maximumf>, %select_n3A_1072, %reduce_max3A_1073 [0] : vector<1000x128xf32> to vector<128xf32>
    %broadcast_in_dim3A_1075 = vector.shape_cast %reduce_max3A_1074 : vector<128xf32> to vector<1x128xf32>
    %get3A_1076 = arith.constant 56 : index
    %get3A_1077 = arith.constant 0 : index
    %get3A_1078 = vector.load %arg6[%get3A_1076, %get3A_1077] : memref<64x128xf32, #tpu.memory_space<vmem>>, vector<1x128xf32>
    %max3A_1079 = arith.maximumf %get3A_1078, %broadcast_in_dim3A_1075 : vector<1x128xf32>
    %swap3A_1080 = arith.constant 56 : index
    %swap3A_1081 = arith.constant 0 : index
    %swap3A_1082 = vector.load %arg6[%swap3A_1080, %swap3A_1081] : memref<64x128xf32, #tpu.memory_space<vmem>>, vector<1x128xf32>
    tpu.vector_store %arg6[%swap3A_1080, %swap3A_1081], %max3A_1079 {strides = array<i32>} : memref<64x128xf32, #tpu.memory_space<vmem>>, vector<1x128xf32>,
    %eq3A_1083 = arith.constant 57 : i32
    %eq3A_1084 = vector.broadcast %eq3A_1083 : i32 to vector<1000x1xi32>
    %eq3A_1085 = arith.cmpi eq, %get3A_38, %eq3A_1084 : vector<1000x1xi32>
    %jit3A_1086 = arith.constant 0xFF800000 : f32
    %broadcast_in_dim3A_1087 = vector.shape_cast %eq3A_1085 : vector<1000x1xi1> to vector<1000x1xi1>
    %broadcast_in_dim3A_1088 = vector.broadcast %broadcast_in_dim3A_1087 : vector<1000x1xi1> to vector<1000x128xi1>
    %broadcast_in_dim3A_1089 = vector.broadcast %jit3A_1086 : f32 to vector<1000x128xf32>
    %select_n3A_1090 = arith.select %broadcast_in_dim3A_1088, %max3A_35, %broadcast_in_dim3A_1089 : vector<1000x128xi1>, vector<1000x128xf32>
    %reduce_max3A_1091 = arith.constant dense<0xFF800000> : vector<128xf32>
    %reduce_max3A_1092 = vector.multi_reduction <maximumf>, %select_n3A_1090, %reduce_max3A_1091 [0] : vector<1000x128xf32> to vector<128xf32>
    %broadcast_in_dim3A_1093 = vector.shape_cast %reduce_max3A_1092 : vector<128xf32> to vector<1x128xf32>
    %get3A_1094 = arith.constant 57 : index
    %get3A_1095 = arith.constant 0 : index
    %get3A_1096 = vector.load %arg6[%get3A_1094, %get3A_1095] : memref<64x128xf32, #tpu.memory_space<vmem>>, vector<1x128xf32>
    %max3A_1097 = arith.maximumf %get3A_1096, %broadcast_in_dim3A_1093 : vector<1x128xf32>
    %swap3A_1098 = arith.constant 57 : index
    %swap3A_1099 = arith.constant 0 : index
    %swap3A_1100 = vector.load %arg6[%swap3A_1098, %swap3A_1099] : memref<64x128xf32, #tpu.memory_space<vmem>>, vector<1x128xf32>
    tpu.vector_store %arg6[%swap3A_1098, %swap3A_1099], %max3A_1097 {strides = array<i32>} : memref<64x128xf32, #tpu.memory_space<vmem>>, vector<1x128xf32>,
    %eq3A_1101 = arith.constant 58 : i32
    %eq3A_1102 = vector.broadcast %eq3A_1101 : i32 to vector<1000x1xi32>
    %eq3A_1103 = arith.cmpi eq, %get3A_38, %eq3A_1102 : vector<1000x1xi32>
    %jit3A_1104 = arith.constant 0xFF800000 : f32
    %broadcast_in_dim3A_1105 = vector.shape_cast %eq3A_1103 : vector<1000x1xi1> to vector<1000x1xi1>
    %broadcast_in_dim3A_1106 = vector.broadcast %broadcast_in_dim3A_1105 : vector<1000x1xi1> to vector<1000x128xi1>
    %broadcast_in_dim3A_1107 = vector.broadcast %jit3A_1104 : f32 to vector<1000x128xf32>
    %select_n3A_1108 = arith.select %broadcast_in_dim3A_1106, %max3A_35, %broadcast_in_dim3A_1107 : vector<1000x128xi1>, vector<1000x128xf32>
    %reduce_max3A_1109 = arith.constant dense<0xFF800000> : vector<128xf32>
    %reduce_max3A_1110 = vector.multi_reduction <maximumf>, %select_n3A_1108, %reduce_max3A_1109 [0] : vector<1000x128xf32> to vector<128xf32>
    %broadcast_in_dim3A_1111 = vector.shape_cast %reduce_max3A_1110 : vector<128xf32> to vector<1x128xf32>
    %get3A_1112 = arith.constant 58 : index
    %get3A_1113 = arith.constant 0 : index
    %get3A_1114 = vector.load %arg6[%get3A_1112, %get3A_1113] : memref<64x128xf32, #tpu.memory_space<vmem>>, vector<1x128xf32>
    %max3A_1115 = arith.maximumf %get3A_1114, %broadcast_in_dim3A_1111 : vector<1x128xf32>
    %swap3A_1116 = arith.constant 58 : index
    %swap3A_1117 = arith.constant 0 : index
    %swap3A_1118 = vector.load %arg6[%swap3A_1116, %swap3A_1117] : memref<64x128xf32, #tpu.memory_space<vmem>>, vector<1x128xf32>
    tpu.vector_store %arg6[%swap3A_1116, %swap3A_1117], %max3A_1115 {strides = array<i32>} : memref<64x128xf32, #tpu.memory_space<vmem>>, vector<1x128xf32>,
    %eq3A_1119 = arith.constant 59 : i32
    %eq3A_1120 = vector.broadcast %eq3A_1119 : i32 to vector<1000x1xi32>
    %eq3A_1121 = arith.cmpi eq, %get3A_38, %eq3A_1120 : vector<1000x1xi32>
    %jit3A_1122 = arith.constant 0xFF800000 : f32
    %broadcast_in_dim3A_1123 = vector.shape_cast %eq3A_1121 : vector<1000x1xi1> to vector<1000x1xi1>
    %broadcast_in_dim3A_1124 = vector.broadcast %broadcast_in_dim3A_1123 : vector<1000x1xi1> to vector<1000x128xi1>
    %broadcast_in_dim3A_1125 = vector.broadcast %jit3A_1122 : f32 to vector<1000x128xf32>
    %select_n3A_1126 = arith.select %broadcast_in_dim3A_1124, %max3A_35, %broadcast_in_dim3A_1125 : vector<1000x128xi1>, vector<1000x128xf32>
    %reduce_max3A_1127 = arith.constant dense<0xFF800000> : vector<128xf32>
    %reduce_max3A_1128 = vector.multi_reduction <maximumf>, %select_n3A_1126, %reduce_max3A_1127 [0] : vector<1000x128xf32> to vector<128xf32>
    %broadcast_in_dim3A_1129 = vector.shape_cast %reduce_max3A_1128 : vector<128xf32> to vector<1x128xf32>
    %get3A_1130 = arith.constant 59 : index
    %get3A_1131 = arith.constant 0 : index
    %get3A_1132 = vector.load %arg6[%get3A_1130, %get3A_1131] : memref<64x128xf32, #tpu.memory_space<vmem>>, vector<1x128xf32>
    %max3A_1133 = arith.maximumf %get3A_1132, %broadcast_in_dim3A_1129 : vector<1x128xf32>
    %swap3A_1134 = arith.constant 59 : index
    %swap3A_1135 = arith.constant 0 : index
    %swap3A_1136 = vector.load %arg6[%swap3A_1134, %swap3A_1135] : memref<64x128xf32, #tpu.memory_space<vmem>>, vector<1x128xf32>
    tpu.vector_store %arg6[%swap3A_1134, %swap3A_1135], %max3A_1133 {strides = array<i32>} : memref<64x128xf32, #tpu.memory_space<vmem>>, vector<1x128xf32>,
    %eq3A_1137 = arith.constant 60 : i32
    %eq3A_1138 = vector.broadcast %eq3A_1137 : i32 to vector<1000x1xi32>
    %eq3A_1139 = arith.cmpi eq, %get3A_38, %eq3A_1138 : vector<1000x1xi32>
    %jit3A_1140 = arith.constant 0xFF800000 : f32
    %broadcast_in_dim3A_1141 = vector.shape_cast %eq3A_1139 : vector<1000x1xi1> to vector<1000x1xi1>
    %broadcast_in_dim3A_1142 = vector.broadcast %broadcast_in_dim3A_1141 : vector<1000x1xi1> to vector<1000x128xi1>
    %broadcast_in_dim3A_1143 = vector.broadcast %jit3A_1140 : f32 to vector<1000x128xf32>
    %select_n3A_1144 = arith.select %broadcast_in_dim3A_1142, %max3A_35, %broadcast_in_dim3A_1143 : vector<1000x128xi1>, vector<1000x128xf32>
    %reduce_max3A_1145 = arith.constant dense<0xFF800000> : vector<128xf32>
    %reduce_max3A_1146 = vector.multi_reduction <maximumf>, %select_n3A_1144, %reduce_max3A_1145 [0] : vector<1000x128xf32> to vector<128xf32>
    %broadcast_in_dim3A_1147 = vector.shape_cast %reduce_max3A_1146 : vector<128xf32> to vector<1x128xf32>
    %get3A_1148 = arith.constant 60 : index
    %get3A_1149 = arith.constant 0 : index
    %get3A_1150 = vector.load %arg6[%get3A_1148, %get3A_1149] : memref<64x128xf32, #tpu.memory_space<vmem>>, vector<1x128xf32>
    %max3A_1151 = arith.maximumf %get3A_1150, %broadcast_in_dim3A_1147 : vector<1x128xf32>
    %swap3A_1152 = arith.constant 60 : index
    %swap3A_1153 = arith.constant 0 : index
    %swap3A_1154 = vector.load %arg6[%swap3A_1152, %swap3A_1153] : memref<64x128xf32, #tpu.memory_space<vmem>>, vector<1x128xf32>
    tpu.vector_store %arg6[%swap3A_1152, %swap3A_1153], %max3A_1151 {strides = array<i32>} : memref<64x128xf32, #tpu.memory_space<vmem>>, vector<1x128xf32>,
    %eq3A_1155 = arith.constant 61 : i32
    %eq3A_1156 = vector.broadcast %eq3A_1155 : i32 to vector<1000x1xi32>
    %eq3A_1157 = arith.cmpi eq, %get3A_38, %eq3A_1156 : vector<1000x1xi32>
    %jit3A_1158 = arith.constant 0xFF800000 : f32
    %broadcast_in_dim3A_1159 = vector.shape_cast %eq3A_1157 : vector<1000x1xi1> to vector<1000x1xi1>
    %broadcast_in_dim3A_1160 = vector.broadcast %broadcast_in_dim3A_1159 : vector<1000x1xi1> to vector<1000x128xi1>
    %broadcast_in_dim3A_1161 = vector.broadcast %jit3A_1158 : f32 to vector<1000x128xf32>
    %select_n3A_1162 = arith.select %broadcast_in_dim3A_1160, %max3A_35, %broadcast_in_dim3A_1161 : vector<1000x128xi1>, vector<1000x128xf32>
    %reduce_max3A_1163 = arith.constant dense<0xFF800000> : vector<128xf32>
    %reduce_max3A_1164 = vector.multi_reduction <maximumf>, %select_n3A_1162, %reduce_max3A_1163 [0] : vector<1000x128xf32> to vector<128xf32>
    %broadcast_in_dim3A_1165 = vector.shape_cast %reduce_max3A_1164 : vector<128xf32> to vector<1x128xf32>
    %get3A_1166 = arith.constant 61 : index
    %get3A_1167 = arith.constant 0 : index
    %get3A_1168 = vector.load %arg6[%get3A_1166, %get3A_1167] : memref<64x128xf32, #tpu.memory_space<vmem>>, vector<1x128xf32>
    %max3A_1169 = arith.maximumf %get3A_1168, %broadcast_in_dim3A_1165 : vector<1x128xf32>
    %swap3A_1170 = arith.constant 61 : index
    %swap3A_1171 = arith.constant 0 : index
    %swap3A_1172 = vector.load %arg6[%swap3A_1170, %swap3A_1171] : memref<64x128xf32, #tpu.memory_space<vmem>>, vector<1x128xf32>
    tpu.vector_store %arg6[%swap3A_1170, %swap3A_1171], %max3A_1169 {strides = array<i32>} : memref<64x128xf32, #tpu.memory_space<vmem>>, vector<1x128xf32>,
    %eq3A_1173 = arith.constant 62 : i32
    %eq3A_1174 = vector.broadcast %eq3A_1173 : i32 to vector<1000x1xi32>
    %eq3A_1175 = arith.cmpi eq, %get3A_38, %eq3A_1174 : vector<1000x1xi32>
    %jit3A_1176 = arith.constant 0xFF800000 : f32
    %broadcast_in_dim3A_1177 = vector.shape_cast %eq3A_1175 : vector<1000x1xi1> to vector<1000x1xi1>
    %broadcast_in_dim3A_1178 = vector.broadcast %broadcast_in_dim3A_1177 : vector<1000x1xi1> to vector<1000x128xi1>
    %broadcast_in_dim3A_1179 = vector.broadcast %jit3A_1176 : f32 to vector<1000x128xf32>
    %select_n3A_1180 = arith.select %broadcast_in_dim3A_1178, %max3A_35, %broadcast_in_dim3A_1179 : vector<1000x128xi1>, vector<1000x128xf32>
    %reduce_max3A_1181 = arith.constant dense<0xFF800000> : vector<128xf32>
    %reduce_max3A_1182 = vector.multi_reduction <maximumf>, %select_n3A_1180, %reduce_max3A_1181 [0] : vector<1000x128xf32> to vector<128xf32>
    %broadcast_in_dim3A_1183 = vector.shape_cast %reduce_max3A_1182 : vector<128xf32> to vector<1x128xf32>
    %get3A_1184 = arith.constant 62 : index
    %get3A_1185 = arith.constant 0 : index
    %get3A_1186 = vector.load %arg6[%get3A_1184, %get3A_1185] : memref<64x128xf32, #tpu.memory_space<vmem>>, vector<1x128xf32>
    %max3A_1187 = arith.maximumf %get3A_1186, %broadcast_in_dim3A_1183 : vector<1x128xf32>
    %swap3A_1188 = arith.constant 62 : index
    %swap3A_1189 = arith.constant 0 : index
    %swap3A_1190 = vector.load %arg6[%swap3A_1188, %swap3A_1189] : memref<64x128xf32, #tpu.memory_space<vmem>>, vector<1x128xf32>
    tpu.vector_store %arg6[%swap3A_1188, %swap3A_1189], %max3A_1187 {strides = array<i32>} : memref<64x128xf32, #tpu.memory_space<vmem>>, vector<1x128xf32>,
    %eq3A_1191 = arith.constant 63 : i32
    %eq3A_1192 = vector.broadcast %eq3A_1191 : i32 to vector<1000x1xi32>
    %eq3A_1193 = arith.cmpi eq, %get3A_38, %eq3A_1192 : vector<1000x1xi32>
    %jit3A_1194 = arith.constant 0xFF800000 : f32
    %broadcast_in_dim3A_1195 = vector.shape_cast %eq3A_1193 : vector<1000x1xi1> to vector<1000x1xi1>
    %broadcast_in_dim3A_1196 = vector.broadcast %broadcast_in_dim3A_1195 : vector<1000x1xi1> to vector<1000x128xi1>
    %broadcast_in_dim3A_1197 = vector.broadcast %jit3A_1194 : f32 to vector<1000x128xf32>
    %select_n3A_1198 = arith.select %broadcast_in_dim3A_1196, %max3A_35, %broadcast_in_dim3A_1197 : vector<1000x128xi1>, vector<1000x128xf32>
    %reduce_max3A_1199 = arith.constant dense<0xFF800000> : vector<128xf32>
    %reduce_max3A_1200 = vector.multi_reduction <maximumf>, %select_n3A_1198, %reduce_max3A_1199 [0] : vector<1000x128xf32> to vector<128xf32>
    %broadcast_in_dim3A_1201 = vector.shape_cast %reduce_max3A_1200 : vector<128xf32> to vector<1x128xf32>
    %get3A_1202 = arith.constant 63 : index
    %get3A_1203 = arith.constant 0 : index
    %get3A_1204 = vector.load %arg6[%get3A_1202, %get3A_1203] : memref<64x128xf32, #tpu.memory_space<vmem>>, vector<1x128xf32>
    %max3A_1205 = arith.maximumf %get3A_1204, %broadcast_in_dim3A_1201 : vector<1x128xf32>
    %swap3A_1206 = arith.constant 63 : index
    %swap3A_1207 = arith.constant 0 : index
    %swap3A_1208 = vector.load %arg6[%swap3A_1206, %swap3A_1207] : memref<64x128xf32, #tpu.memory_space<vmem>>, vector<1x128xf32>
    tpu.vector_store %arg6[%swap3A_1206, %swap3A_1207], %max3A_1205 {strides = array<i32>} : memref<64x128xf32, #tpu.memory_space<vmem>>, vector<1x128xf32>,
    %eq3A_1209 = arith.constant 9 : i32
    %eq3A_1210 = arith.cmpi eq, %arg0, %eq3A_1209 : i32
    %convert_element_type3A_1211 = arith.extui %eq3A_1210 : i1 to i32
    %cond3A_1212 = arith.constant 0 : i32
    %cond3A_1213 = arith.cmpi ne, %convert_element_type3A_1211, %cond3A_1212 : i32
    scf.if %cond3A_1213 {
      %get3A_1214 = arith.constant 0 : index
      %get3A_1215 = arith.constant 0 : index
      %get3A_1216 = vector.load %arg6[%get3A_1214, %get3A_1215] : memref<64x128xf32, #tpu.memory_space<vmem>>, vector<64x128xf32>
      %swap3A_1217 = arith.constant 0 : index
      %swap3A_1218 = arith.constant 0 : index
      %swap3A_1219 = vector.load %arg4[%swap3A_1217, %swap3A_1218] : memref<64x128xf32, #tpu.memory_space<vmem>>, vector<64x128xf32>
      tpu.vector_store %arg4[%swap3A_1217, %swap3A_1218], %get3A_1216 {strides = array<i32>} : memref<64x128xf32, #tpu.memory_space<vmem>>, vector<64x128xf32>,
      %get3A_1220 = arith.constant 0 : index
      %get3A_1221 = arith.constant 0 : index
      %get3A_1222 = vector.load %arg7[%get3A_1220, %get3A_1221] : memref<64x128xf32, #tpu.memory_space<vmem>>, vector<64x128xf32>
      %get3A_1223 = arith.constant 0 : index
      %get3A_1224 = arith.constant 0 : index
      %get3A_1225 = vector.load %arg8[%get3A_1223, %get3A_1224] : memref<64x128xf32, #tpu.memory_space<vmem>>, vector<64x128xf32>
      %max3A_1226 = arith.constant 1.000000e+00 : f32
      %max3A_1227 = vector.broadcast %max3A_1226 : f32 to vector<64x128xf32>
      %max3A_1228 = arith.maximumf %get3A_1225, %max3A_1227 : vector<64x128xf32>
      %div3A_1229 = arith.divf %get3A_1222, %max3A_1228 : vector<64x128xf32>
      %swap3A_1230 = arith.constant 0 : index
      %swap3A_1231 = arith.constant 0 : index
      %swap3A_1232 = vector.load %arg5[%swap3A_1230, %swap3A_1231] : memref<64x128xf32, #tpu.memory_space<vmem>>, vector<64x128xf32>
      tpu.vector_store %arg5[%swap3A_1230, %swap3A_1231], %div3A_1229 {strides = array<i32>} : memref<64x128xf32, #tpu.memory_space<vmem>>, vector<64x128xf32>,
    } else {
    }
    return
  }
  func.func @transform_0(%arg0: i32) -> (i32, i32) {
    %c0_i32 = arith.constant 0 : i32
    %c0_i32_0 = arith.constant 0 : i32
    return %arg0, %c0_i32 : i32, i32
  }
  func.func @transform_1(%arg0: i32) -> (i32, i32) {
    %c0_i32 = arith.constant 0 : i32
    %c0_i32_0 = arith.constant 0 : i32
    return %arg0, %c0_i32 : i32, i32
  }
  func.func @transform_2(%arg0: i32) -> (i32, i32) {
    %c0_i32 = arith.constant 0 : i32
    %c0_i32_0 = arith.constant 0 : i32
    %c0_i32_1 = arith.constant 0 : i32
    return %c0_i32, %c0_i32_0 : i32, i32
  }
  func.func @transform_3(%arg0: i32) -> (i32, i32) {
    %c0_i32 = arith.constant 0 : i32
    %c0_i32_0 = arith.constant 0 : i32
    %c0_i32_1 = arith.constant 0 : i32
    return %c0_i32, %c0_i32_0 : i32, i32
  }
  func.func @transform_4(%arg0: i32) -> (i32, i32) {
    %c0_i32 = arith.constant 0 : i32
    %c0_i32_0 = arith.constant 0 : i32
    %c0_i32_1 = arith.constant 0 : i32
    return %c0_i32, %c0_i32_0 : i32, i32
  }
}

</mosaic_0001>

<sc_bundles>
// kernel: gather_offload_async_start.1
scs
__scs_entry_jumppad:
0x0: {  	(pc) =	sbr.rel $0x88, $3  }
0x1: {  	(tag) =	ssettag $0x0;
	lr =	simm.s32 $0x1  }
0x2: {  	[smem:$0x3F9A] =	sst lr;
	_ =	strace $0xD0000000  }
0x3: {  	_ = 	snop  }
0x4: {  	_ = 	snop  }
0x5: {  	_ = 	snop  }
0x6: {  	_ = 	snop  }
0x7: {  	_ = 	snop  }
__scs_overlays_trampoline_lowered:
0x8: {  	[smem:$0x3FA9] =	sst s0  }
0x9: {  	[smem:$0x3FAA] =	sst s1  }
0xa: {  	[smem:$0x3FAB] =	sst s2  }
0xb: {  	[smem:$0x3FAC] =	sst s3  }
0xc: {  	[smem:$0x3FAD] =	sst s4  }
0xd: {  	[smem:$0x3FAE] =	sst s5  }
0xe: {  	[smem:$0x3FAF] =	sst s6  }
0xf: {  	[smem:$0x3FB0] =	sst s7  }
0x10: {  	[smem:$0x3FB1] =	sst s8  }
0x11: {  	[smem:$0x3FB2] =	sst s9;
	s0 =	simm.s32 @!p0 $0x0  }
0x12: {  	s1 =	sld [smem:$0x3F98];
	s0 =	simm.s32 @p0 $0x1  }
0x13: {  	[smem:$0x3FB3] =	sst s0;
	s0 =	simm.s32 @!p1 $0x0  }
0x14: {  	s2 =	sld [smem:$0x3F97];
	s0 =	simm.s32 @p1 $0x1  }
0x15: {  	[smem:$0x3FB4] =	sst s0;
	s0 =	simm.s32 @!p2 $0x0  }
0x16: {  	s3 =	sld [smem:$0x3FDB];
	s0 =	simm.s32 @p2 $0x1  }
0x17: {  	s4 =	simm.s32 $0x1BF5;
	[smem:$0x3FB6] =	sst s0  }
0x18: {  	s0 =	sld [smem:$0x3F99];
	_ =	swait.ge [sflag:s4], $0x0  }
0x19: {  	s7 =	sld [smem:$0x3F9A]  }
0x1a: {  	s8 =	sadd.s32 $0xFFFFE003, lr  }
0x1b: {  	s9 =	sadd.s32 $0xFFFFFEF7, lr;
	s5 =	simm.s32 $0xFFFFFFFF;
	p2 =	slt.u32 s8, $0xFFFFF086  }
0x1c: {  	p1 =	slt.u32 s9, $0xF7A;
	s5 =	simm.s32 @!p2 $0x0  }
0x1d: {  	s5 =	simm.s32 @p1 $0x1;
	p0 =	seq.s32 s7, s2  }
0x1e: {  	s7 =	smul.u32 @!p0 $0xF7A, s2;
	p2 =	seq.s32 @!p0 s5, $0x0  }
0x1f: {  	s9 =	smul.u32 $0xF7A, s1;
	s8 =	simm.s32 @!p0 $0x1BF5;
	p2 =	por !p2, p0  }
0x20: {  	[sflag:s8] =	ssyncset.s32 @!p0 $0xFFFFF086;
	s6 =	sadd.s32 @!p0 s3, s7;
	s7 =	simm.s32 @!p0 $0x108  }
0x21: {  	s3 =	sadd.s32 s3, s9;
	s6 =	sadd.s32 @!p0 $0x88, s6;
	s7 =	simm.s32 @p2 $0x1082  }
0x22: {  	[simem:s7], [sflag:s8] =	dma.local @!p0 [hbm:s6], $0xF7A  }
0x23: {  	s9 =	sor.u32 $0xD0000000, s2;
	s6 =	simm.s32 $0x108;
	_ =	swait.ge @!p0 [sflag:s8], $0x0  }
0x24: {  	s3 =	sadd.s32 $0x88, s3;
	s6 =	simm.s32 @!p1 $0x1082;
	[sflag:s4] =	ssyncset.s32 $0xFFFFF086  }
0x25: {  	[simem:s6], [sflag:s4] =	dma.local [hbm:s3], $0xF7A  }
0x26: {  	[smem:$0x3F9A] =	sst s1;
	(tag) =	ssettag s2;
	_ =	strace s9  }
0x27: {  	s1 =	sld [smem:$0x3FAA]  }
0x28: {  	s2 =	sld [smem:$0x3FAB]  }
0x29: {  	s4 =	sld [smem:$0x3FAD]  }
0x2a: {  	p0 =	seq.s32 s5, $0x0;
	s5 =	sld [smem:$0x3FAE]  }
0x2b: {  	s6 =	sld [smem:$0x3FAF]  }
0x2c: {  	s7 =	sld [smem:$0x3FB0]  }
0x2d: {  	s3 =	simm.s32 $0x108;
	s8 =	sld [smem:$0x3FB1]  }
0x2e: {  	s3 =	simm.s32 @!p0 $0x1082;
	s9 =	sld [smem:$0x3FB2]  }
0x2f: {  	lr =	sadd.s32 s0, s3;
	s0 =	sld [smem:$0x3FA9]  }
0x30: {  	s3 =	sld [smem:$0x3FAC]  }
0x31: {  	[smem:$0x3FB5] =	sst s10  }
0x32: {  	s10 =	sld [smem:$0x3FB3];
	_ =	sdelay $0x3  }
0x33: {  	p0 =	seq.s32 s10, $0x1;
	s10 =	sld [smem:$0x3FB5];
	_ =	sdelay $0x3  }
0x34: {  	[smem:$0x3FB5] =	sst s10  }
0x35: {  	s10 =	sld [smem:$0x3FB4];
	_ =	sdelay $0x3  }
0x36: {  	p1 =	seq.s32 s10, $0x1;
	s10 =	sld [smem:$0x3FB5];
	_ =	sdelay $0x3  }
0x37: {  	[smem:$0x3FB5] =	sst s10  }
0x38: {  	s10 =	sld [smem:$0x3FB6]  }
0x39: {  	_ = 	snop;
	(pc) =	sbr.ind lr, $3  }
0x3a: {  	_ = 	snop  }
0x3b: {  	_ = 	snop  }
0x3c: {  	p2 =	seq.s32 s10, $0x1;
	s10 =	sld [smem:$0x3FB5]  }
0x3d: {  	_ =	shalt  }
0x3e: {  	_ =	shalt  }
0x3f: {  	_ =	shalt  }
0x40: {  	_ =	shalt  }
0x41: {  	_ =	shalt  }
0x42: {  	_ =	shalt  }
0x43: {  	_ =	shalt  }
0x44: {  	_ =	shalt  }
0x45: {  	_ =	shalt  }
0x46: {  	_ =	shalt  }
0x47: {  	_ =	shalt  }
0x48: {  	_ =	shalt  }
0x49: {  	_ =	shalt  }
0x4a: {  	_ =	shalt  }
0x4b: {  	_ =	shalt  }
0x4c: {  	_ =	shalt  }
0x4d: {  	_ =	shalt  }
0x4e: {  	_ =	shalt  }
0x4f: {  	_ =	shalt  }
0x50: {  	_ =	shalt  }
0x51: {  	_ =	shalt  }
0x52: {  	_ =	shalt  }
0x53: {  	_ =	shalt  }
0x54: {  	_ =	shalt  }
0x55: {  	_ =	shalt  }
0x56: {  	_ =	shalt  }
0x57: {  	_ =	shalt  }
0x58: {  	_ =	shalt  }
0x59: {  	_ =	shalt  }
0x5a: {  	_ =	shalt  }
0x5b: {  	_ =	shalt  }
0x5c: {  	_ =	shalt  }
0x5d: {  	_ =	shalt  }
0x5e: {  	_ =	shalt  }
0x5f: {  	_ =	shalt  }
0x60: {  	_ =	shalt  }
0x61: {  	_ =	shalt  }
0x62: {  	_ =	shalt  }
0x63: {  	_ =	shalt  }
0x64: {  	_ =	shalt  }
0x65: {  	_ =	shalt  }
0x66: {  	_ =	shalt  }
0x67: {  	_ =	shalt  }
0x68: {  	_ =	shalt  }
0x69: {  	_ =	shalt  }
0x6a: {  	_ =	shalt  }
0x6b: {  	_ =	shalt  }
0x6c: {  	_ =	shalt  }
0x6d: {  	_ =	shalt  }
0x6e: {  	_ =	shalt  }
0x6f: {  	_ =	shalt  }
0x70: {  	_ =	shalt  }
0x71: {  	_ =	shalt  }
0x72: {  	_ =	shalt  }
0x73: {  	_ =	shalt  }
0x74: {  	_ =	shalt  }
0x75: {  	_ =	shalt  }
0x76: {  	_ =	shalt  }
0x77: {  	_ =	shalt  }
0x78: {  	_ =	shalt  }
0x79: {  	_ =	shalt  }
0x7a: {  	_ =	shalt  }
0x7b: {  	_ =	shalt  }
0x7c: {  	_ =	shalt  }
0x7d: {  	_ =	shalt  }
0x7e: {  	_ =	shalt  }
0x7f: {  	_ =	shalt  }
0x80: {  	_ =	shalt  }
0x81: {  	_ =	shalt  }
0x82: {  	_ =	shalt  }
0x83: {  	_ =	shalt  }
0x84: {  	_ =	shalt  }
0x85: {  	_ =	shalt  }
0x86: {  	_ =	shalt  }
0x87: {  	_ =	shalt  }
.Lfunc_end0:
.L_simem_size_0:
called_computation.1_lowered:
.L_overlay_start_0:
0x88: {  	s2 =	sld [smem:$0x3FD9]  }
0x89: {  	s3 =	sld [smem:$0x3FFE];
	_ =	sdelay $0x1  }
0x8a: {  	s1 =	srdreg.scid  }
0x8b: {  	s0 =	sand.u32 $0x1, s1  }
0x8c: {  	s17 =	sshll.u32 s0, $0xA;
	s2 =	sadd.s32 s3, s2  }
0x8d: {  	s2 =	sadd.s32 s2, s17  }
0x8e: {  	[smem:$0x3FC1] =	sst s2  }
0x8f: {  	_ = 	snop  }
0x90: {  	(tm) =	ssettm $0x1  }
0x91: {  	s18 =	sld [smem:$0x3FFB];
	_ =	sdelay $0x3  }
0x92: {  	_ =	strace s18  }
0x93: {  	s2 =	sld [smem:$0x3FFC];
	_ =	sdelay $0x3  }
0x94: {  	_ =	strace s2  }
0x95: {  	s2 =	sld [smem:$0x3FFD];
	_ =	sdelay $0x3  }
0x96: {  	_ =	strace s2  }
0x97: {  	_ =	strace $0x8FFFFFFF  }
0x98: {  	s19 =	sld [smem:$0x3FDB];
	_ =	sdelay $0x1  }
0x99: {  	s20 =	simm.s32 $_scs_section_size  }
0x9a: {  	s4 =	simm.s32 $_size__tile_overlayer_lowered;
	s5 =	simm.s32 $_tile_overlayer_lowered  }
0x9b: {  	s6 =	simm.s32 $0x1BFF;
	s21 =	sshll.u32 s5, $0x1;
	s3 =	sadd.s32 s20, s19  }
0x9c: {  	s22 =	simm.s32 $0x0;
	s4 =	sshll.u32 s4, $0x1;
	s5 =	sadd.s32 s21, s3  }
0x9d: {  	[timem:s22], [sflag:s6] =	dma.local [hbm:s5], s4  }
0x9e: {  	_ =	swait.ge [sflag:s6], s4  }
0x9f: {  	s4 =	ssub.s32 $0x0, s4;
	[sflag:s6] =	ssyncset.done $0x0  }
0xa0: {  	[sflag:s6] =	ssyncadd.s32 s4;
	_ =	sdelay $0x1  }
0xa1: {  	s23 =	simm.s32 $0x1B8B  }
0xa2: {  	_ =	swait.ge [sflag:s23], $0x1  }
0xa3: {  	[sflag:s23] =	ssyncset.done $0x0  }
0xa4: {  	[sflag:s23] =	ssyncadd.s32 $0xFFFFFFFF  }
0xa5: {  	s4 =	sld [smem:$0x0]  }
0xa6: {  	s5 =	sand.u32 $0xFFFFFFFE, s1  }
0xa7: {  	p0 =	sne.s32 s1, s5  }
0xa8: {  	s5 =	sshll.u32 @p0 s5, $0xE  }
0xa9: {  	s5 =	sadd.s32 @p0 $0x11B8D, s5;
	s6 =	sshll.u32 @p0 s4, $0x11  }
0xaa: {  	s5 =	sor.u32 @p0 s6, s5  }
0xab: {  	[sflag:s5] =	ssyncadd.remote.s32 @p0 $0x1;
	_ =	sdelay $0x1  }
0xac: {  	s5 =	simm.s32 @p0 $0x1B8D  }
0xad: {  	_ =	swait.eq @p0 [sflag:s5], $0x1  }
0xae: {  	[sflag:s5] =	ssyncadd.s32 @p0 $0xFFFFFFFF  }
0xaf: {  	s6 =	sshll.u32 @!p0 s1, $0xE  }
0xb0: {  	s6 =	sor.u32 @!p0 $0x4000, s6;
	s5 =	simm.s32 @!p0 $0x1B8D  }
0xb1: {  	s4 =	sshll.u32 @!p0 s4, $0x11;
	s6 =	sadd.s32 @!p0 $0x11B8D, s6;
	_ =	swait.eq @!p0 [sflag:s5], $0x1  }
0xb2: {  	s4 =	sor.u32 @!p0 s4, s6;
	[sflag:s5] =	ssyncadd.s32 @!p0 $0xFFFFFFFF  }
0xb3: {  	s25 =	simm.s32 $0x1B8E;
	s24 =	sld [smem:$0x3FFE];
	[sflag:s4] =	ssyncadd.remote.s32 @!p0 $0x1  }
0xb4: {  	s26 =	simm.s32 $execute0_lowered;
	[smem:$0x3FD2] =	sst s25  }
0xb5: {  	s5 =	sshll.u32 s26, $0x1;
	_ =	strace $0x80000049;
	[dreg:$0x1] =	wrdreg $0xFFFFFFFF  }
0xb6: {  	s28 =	simm.s32 $_size_execute0_lowered;
	s3 =	sadd.s32 s3, s5;
	[dreg:$0x0] =	wrdreg $0x0  }
0xb7: {  	s5 =	sshll.u32 s28, $0x1;
	[dreg:$0x2] =	wrdreg s3  }
0xb8: {  	[dreg:$0x3] =	wrdreg s5  }
0xb9: {  	[dreg:$0x4] =	wrdreg $0xC0  }
0xba: {  	_ =	task [dreg:s22], $0x5FFFF  }
0xbb: {  	[dreg:$0x1] =	wrdreg $0xFFFFFFFF  }
0xbc: {  	[dreg:$0x0] =	wrdreg $0x60  }
0xbd: {  	[dreg:$0x2] =	wrdreg s24  }
0xbe: {  	[dreg:$0x3] =	wrdreg $0x9  }
0xbf: {  	_ =	task.clear_ibuf [dreg:s22], $0x4FFFF;
	_ =	strace $0x90000049  }
0xc0: {  	s29 =	simm.s32 $0x9;
	_ =	strace $0x8000004B  }
0xc1: {  	_ =	swait.ge [sflag:s29], $0x1  }
0xc2: {  	[sflag:s29] =	ssyncadd.s32 $0xFFFFFFFF  }
0xc3: {  	_ =	strace $0x9000004B  }
0xc4: {  	_ =	sfence  }
0xc5: {  	s30 =	sld [smem:$0x0];
	_ =	sdelay $0x2  }
0xc6: {  	s31 =	sshll.u32 s1, $0xD;
	s1 =	sshrl.u32 s1, $0x2  }
0xc7: {  	s4 =	sand.u32 $0x4000, s31;
	s1 =	sadd.s32 s1, s30  }
0xc8: {  	s0 =	sor.u32 s4, s0;
	s1 =	sshll.u32 s1, $0x11  }
0xc9: {  	s0 =	sor.u32 s1, s0  }
0xca: {  	s0 =	sadd.s32 $0x8F2B, s0  }
0xcb: {  	[sflag:s0] =	ssyncadd.remote.s32 $0x1  }
0xcc: {  	_ =	sfence.sel $0xFFFF  }
0xcd: {  	[dreg:$0x0] =	wrdreg $0xFFFFFFFF;
	(pc) =	sbr.abs _section_cstart, $3  }
0xce: {  	[dreg:$0x1] =	wrdreg $0xFFFFFFFF  }
0xcf: {  	_ =	task.clear_ibuf [dreg:s22], $0x2FFFF;
	_ =	strace $0x9FFFFFFF  }
0xd0: {  	(tm) =	ssettm $0x7FFFFFFF  }
0xd1: {  	_ =	shalt  }
tec
execute0_lowered:
.L_overlay_start_1:
0x0: {  	(tag) =	ssettag $0x1  }
0x1: {  	s8 =	rddreg [dreg:$0x0];
	s1 =	stileid.u32  }
0x2: {  	s2 =	srdreg.scid;
	s0 =	rddreg [dreg:$0x1]  }
0x3: {  	_ =	strace $0x8000004A;
	s5 =	simm.s32 $0x1;
	s9 =	simm.s32 $0x1  }
0x4: {  	s10 =	simm.s32 $0x3;
	s2 =	sand.u32 $0x1, s2;
	s3 =	sshll.u32 s1, $0x1  }
0x5: {  	s13 =	simm.s32 $0x0;
	s12 =	simm.s32 $0x0;
	s6 =	sor.u32 s3, s2  }
0x6: {  	[sflag:s5] =	ssyncpa.u1 $0x0;
	s2 =	sadd.s32 $0x1200, s8;
	s4 =	smul.u32 $0x2400, s6  }
0x7: {  	s3 =	sadd.s32 $0xB400, s8;
	p0 =	slt.u32 s6, $0x5;
	s6 =	simm.s32 $0x48000  }
.Ltmp0:
0x8: {  	s6 =	simm.s32 @!p0 $0x0;
	s7 =	ssub.s32 $0x51000, s4;
	(pc) =	sbr.rel .LBB2_1-.Ltmp0, $4  }
0x9: {  	s9 =	simm.s32 @!p0 $0x0;
	p0 =	sne.s32 s7, s6;
	s7 =	simm.s32 $0x1  }
0xa: {  	s8 =	sadd.s32 $0x77E00, s8;
	s6 =	simm.s32 $0x2;
	s7 =	simm.s32 @!p0 $0x0  }
0xb: {  	s11 =	smov.u32 s4;
	[sflag:s6] =	ssyncpa.u1 $0x0;
	s7 =	sadd.s32 s9, s7  }
0xc: {  	vm0 =	vmmov $0xffff;
	[sflag:s10] =	ssyncpa.u1 $0x0;
	s10 =	simm.s32 $0x0;
	s9 =	sadd.s32 $0x1, s7  }
.LBB2_4:
0xd: {  	v2 =	vnsel vm1, $0x0, v2  }
0xe: {  	vm1 =	vgt.s32 v0, $0x0;
	v2 =	vmin.u32 v2, $0x50FFF  }
0xf: {  	v0 =	vnsel vm1, $0x0, v0  }
0x10: {  	v0 =	vmin.u32 v0, $0x50FFF  }
0x11: {  	[tilespmem:s18], [sflag:$0x1] =	stream.indirect_vreg.gather [hbm4b:s2+s10], $0x1, v1, vm0, $0x4038;
	[tilespmem:$0x9000] =	vst v63  }
0x12: {  	(ifvalue) =	ssetifvalue $0x7FFFFFFF  }
0x13: {  	[tilespmem:s15], [sflag:$0x1] =	stream.indirect_vreg.gather [hbm4b:s2+s10], $0x1, v2, vm0, $0x4038;
	[tilespmem:$0x9000] =	vst v63  }
0x14: {  	s29 =	sadd.s32 $0x10, s15;
	(ifvalue) =	ssetifvalue $0x7FFFFFFF  }
0x15: {  	[tilespmem:s29], [sflag:$0x1] =	stream.indirect_vreg.gather [hbm4b:s2+s10], $0x1, v0, vm0, $0x4038;
	[tilespmem:$0x9000] =	vst v63  }
0x16: {  	_ =	swait.ge [sflag:s5], $0x2400  }
0x17: {  	s30 =	sshrl.u32 s13, $0x3;
	[sflag:s5] =	ssyncset.done $0x0  }
0x18: {  	s31 =	sand.u32 $0x7, s13;
	s15 =	sadd.s32 s8, s30;
	[sflag:s5] =	ssyncadd.s32 $0xFFFFDC00  }
0x19: {  	[hbm4b:s15+s31] =	stream.linear.scatter [tilespmem:s14], [sflag:$0x3], $0x2400, $0x38;
	[tilespmem:$0x9000] =	vst v63  }
.LBB2_5:
0x1a: {  	s15 =	sadd.s32 $0x48000, s11  }
0x1b: {  	p1 =	sgt.s32 s15, $0x50FFF  }
0x1c: {  	s15 =	smov.u32 @p1 s4;
	p1 =	sne.s32 s12, s9  }
.Ltmp1:
0x1d: {  	p0 =	slt.u32 s12, $0x2;
	(pc) =	sbr.rel @!p1 .LBB2_6-.Ltmp1, $4  }
0x1e: {  	s14 =	simm.s32 @!p0 $0x3  }
0x1f: {  	_ =	swait.ge @!p0 [sflag:s14], $0x2400  }
0x20: {  	s16 =	sadd.s32 $0x1, s12;
	s13 =	smov.u32 s11;
	[sflag:s14] =	ssyncset.done @!p0 $0x0  }
0x21: {  	s12 =	smov.u32 s16;
	s11 =	smov.u32 s15;
	[sflag:s14] =	ssyncadd.s32 @!p0 $0xFFFFDC00  }
.LBB2_1:
0x22: {  	p0 =	sge.u32 s12, s7  }
0x23: {  	s14 =	sxor.u32 @!p0 $0x1, s12  }
0x24: {  	s14 =	smul.u32 @!p0 $0x9000, s14  }
0x25: {  	s31 =	sadd.s32 $0xFFFFFFFF, s12;
	s15 =	sshrl.u32 @!p0 s11, $0x3  }
0x26: {  	s16 =	sand.u32 @!p0 $0x7, s11;
	s15 =	sadd.s32 @!p0 s3, s15;
	s14 =	sshra.s32 @!p0 s14, $0x2  }
0x27: {  	[tilespmem:s14], [sflag:$0x2] =	stream.linear.gather @!p0 [hbm4b:s15+s16], $0x2400, $0x38;
	[tilespmem:$0x9000] =	vst v63  }
0x28: {  	p0 =	sge.u32 s31, s7  }
.Ltmp2:
0x29: {  	_ = 	snop;
	(pc) =	sbr.rel @p0 .LBB2_5-.Ltmp2, $1  }
0x2a: {  	_ =	sdelay $0x3  }
0x2b: {  	s14 =	sand.u32 $0x1, s12  }
0x2c: {  	_ =	swait.ge [sflag:s6], $0x2400;
	p0 =	seq.s32 s14, $0x1;
	s14 =	simm.s32 $0x2400  }
0x2d: {  	[sflag:s6] =	ssyncset.done $0x0;
	s14 =	simm.s32 @!p0 $0x0  }
0x2e: {  	[sflag:s6] =	ssyncadd.s32 $0xFFFFDC00;
	(ifvalue) =	ssetifvalue $0x7FFFFFFF;
	v0 =	vld.msk [tilespmem:s14+$0x0 ss:$0x1], $0xffff;
	_ =	sdelay $0x4  }
0x2f: {  	s15 =	sadd.s32 $0x10, s14;
	vm1 =	vgt.s32 v0, $0x0  }
0x30: {  	v2 =	vld.msk [tilespmem:s15+$0x0 ss:$0x1], $0xffff;
	v1 =	vnsel vm1, $0x0, v0  }
0x31: {  	v1 =	vmin.u32 v1, $0x50FFF;
	_ =	sdelay $0x2  }
0x32: {  	s17 =	simm.s32 $0x20;
	s14 =	sor.u32 $0x4800, s14;
	s16 =	sadd.s32 $0x10, s15  }
0x33: {  	s15 =	sadd.s32 $0x10, s14;
	s18 =	smov.u32 s14;
	v0 =	vld.msk [tilespmem:s16+$0x0 ss:$0x1], $0xffff;
	vm1 =	vgt.s32 v2, $0x0;
	(ifvalue) =	ssetifvalue $0x7FFFFFFF  }
.LBB2_3:
0x34: {  	[tilespmem:s18], [sflag:$0x1] =	stream.indirect_vreg.gather [hbm4b:s2+s10], $0x1, v1, vm0, $0x4038;
	[tilespmem:$0x9000] =	vst v63  }
0x35: {  	s17 =	sadd.s32 $0x10, s17  }
0x36: {  	v2 =	vnsel vm1, $0x0, v2;
	p0 =	slt.u32 s17, $0x23F0  }
.Ltmp3:
0x37: {  	s18 =	smov.u32 s15;
	v1 =	vmin.u32 v2, $0x50FFF;
	(pc) =	sbr.rel @p0 .LBB2_3-.Ltmp3, $3  }
0x38: {  	_ =	sdelay $0x1  }
0x39: {  	s16 =	sadd.s32 $0x10, s16  }
0x3a: {  	vm1 =	vgt.s32 v0, $0x0;
	s15 =	sadd.s32 $0x10, s15;
	v2 =	vmov v0;
	(ifvalue) =	ssetifvalue $0x7FFFFFFF;
	v0 =	vld.msk [tilespmem:s16+$0x0 ss:$0x1], $0xffff  }
.Ltmp4:
0x3b: {  	_ = 	snop;
	(pc) =	sbr.rel .LBB2_4-.Ltmp4, $1  }
0x3c: {  	_ =	sdelay $0x3  }
.LBB2_6:
0x3d: {  	_ =	sfence.sel $0x180000  }
0x3e: {  	s2 =	simm.s32 $0x2;
	[bflag:$0x0] =	sbarrier.arrive $0xFFFF  }
0x3f: {  	s30 =	simm.s32 $0x3;
	[sflag:s2] =	ssyncpa.u1 $0x1  }
0x40: {  	s31 =	simm.s32 $0x1;
	[sflag:s30] =	ssyncpa.u1 $0x1  }
0x41: {  	[sflag:s31] =	ssyncpa.u1 $0x1  }
0x42: {  	p0 =	sne.s32 s1, $0x0;
	_ =	strace $0x9000004A  }
0x43: {  	s0 =	sadd.s32 @!p0 $0x100000, s0;
	[bflag:$0x2] =	sbarrier.arrive $0xFFFF  }
0x44: {  	[sflag:s0] =	ssyncadd.tile.s32 @!p0 $0x1;
	_ =	shalt  }
.Lfunc_end2:
_tile_overlayer_lowered:
.L_overlay_start_2:
0x45: {  	(tag) =	ssettag $0x2  }
0x46: {  	s0 =	rddreg [dreg:$0x0];
	s2 =	stileid.u32  }
0x47: {  	s1 =	rddreg [dreg:$0x1];
	p0 =	sne.s32 s2, $0x0  }
0x48: {  	s3 =	rddreg [dreg:$0x2];
	[bflag:$0x3] =	sbarrier.arrive $0xFFFF;
	s2 =	simm.s32 @!p0 $0x1C01  }
0x49: {  	[timem:s3], [sflag:s2] =	dma.local @!p0 [hbm:s0], s1  }
0x4a: {  	s0 =	simm.s32 @!p0 $0x1  }
0x4b: {  	_ =	swait.ge @!p0 [sflag:s0], s1  }
0x4c: {  	s1 =	ssub.s32 @!p0 $0x0, s1;
	[sflag:s0] =	ssyncset.done @!p0 $0x0  }
0x4d: {  	[sflag:s0] =	ssyncadd.s32 @!p0 s1  }
0x4e: {  	[bflag:$0x3] =	sbarrier.arrive $0xFFFF  }
0x4f: {  	_ =	shalt  }

// kernel: gather_offload_async_start
scs
__scs_entry_jumppad:
0x0: {  	(pc) =	sbr.rel $0x88, $3  }
0x1: {  	(tag) =	ssettag $0x0;
	lr =	simm.s32 $0x1  }
0x2: {  	[smem:$0x3F9A] =	sst lr;
	_ =	strace $0xD0000000  }
0x3: {  	_ = 	snop  }
0x4: {  	_ = 	snop  }
0x5: {  	_ = 	snop  }
0x6: {  	_ = 	snop  }
0x7: {  	_ = 	snop  }
__scs_overlays_trampoline_lowered:
0x8: {  	[smem:$0x3FA9] =	sst s0  }
0x9: {  	[smem:$0x3FAA] =	sst s1  }
0xa: {  	[smem:$0x3FAB] =	sst s2  }
0xb: {  	[smem:$0x3FAC] =	sst s3  }
0xc: {  	[smem:$0x3FAD] =	sst s4  }
0xd: {  	[smem:$0x3FAE] =	sst s5  }
0xe: {  	[smem:$0x3FAF] =	sst s6  }
0xf: {  	[smem:$0x3FB0] =	sst s7  }
0x10: {  	[smem:$0x3FB1] =	sst s8  }
0x11: {  	[smem:$0x3FB2] =	sst s9;
	s0 =	simm.s32 @!p0 $0x0  }
0x12: {  	s1 =	sld [smem:$0x3F98];
	s0 =	simm.s32 @p0 $0x1  }
0x13: {  	[smem:$0x3FB3] =	sst s0;
	s0 =	simm.s32 @!p1 $0x0  }
0x14: {  	s2 =	sld [smem:$0x3F97];
	s0 =	simm.s32 @p1 $0x1  }
0x15: {  	[smem:$0x3FB4] =	sst s0;
	s0 =	simm.s32 @!p2 $0x0  }
0x16: {  	s3 =	sld [smem:$0x3FDB];
	s0 =	simm.s32 @p2 $0x1  }
0x17: {  	s4 =	simm.s32 $0x1BF5;
	[smem:$0x3FB6] =	sst s0  }
0x18: {  	s0 =	sld [smem:$0x3F99];
	_ =	swait.ge [sflag:s4], $0x0  }
0x19: {  	s7 =	sld [smem:$0x3F9A]  }
0x1a: {  	s8 =	sadd.s32 $0xFFFFE003, lr  }
0x1b: {  	s9 =	sadd.s32 $0xFFFFFEF7, lr;
	s5 =	simm.s32 $0xFFFFFFFF;
	p2 =	slt.u32 s8, $0xFFFFF086  }
0x1c: {  	p1 =	slt.u32 s9, $0xF7A;
	s5 =	simm.s32 @!p2 $0x0  }
0x1d: {  	s5 =	simm.s32 @p1 $0x1;
	p0 =	seq.s32 s7, s2  }
0x1e: {  	s7 =	smul.u32 @!p0 $0xF7A, s2;
	p2 =	seq.s32 @!p0 s5, $0x0  }
0x1f: {  	s9 =	smul.u32 $0xF7A, s1;
	s8 =	simm.s32 @!p0 $0x1BF5;
	p2 =	por !p2, p0  }
0x20: {  	[sflag:s8] =	ssyncset.s32 @!p0 $0xFFFFF086;
	s6 =	sadd.s32 @!p0 s3, s7;
	s7 =	simm.s32 @!p0 $0x108  }
0x21: {  	s3 =	sadd.s32 s3, s9;
	s6 =	sadd.s32 @!p0 $0x88, s6;
	s7 =	simm.s32 @p2 $0x1082  }
0x22: {  	[simem:s7], [sflag:s8] =	dma.local @!p0 [hbm:s6], $0xF7A  }
0x23: {  	s9 =	sor.u32 $0xD0000000, s2;
	s6 =	simm.s32 $0x108;
	_ =	swait.ge @!p0 [sflag:s8], $0x0  }
0x24: {  	s3 =	sadd.s32 $0x88, s3;
	s6 =	simm.s32 @!p1 $0x1082;
	[sflag:s4] =	ssyncset.s32 $0xFFFFF086  }
0x25: {  	[simem:s6], [sflag:s4] =	dma.local [hbm:s3], $0xF7A  }
0x26: {  	[smem:$0x3F9A] =	sst s1;
	(tag) =	ssettag s2;
	_ =	strace s9  }
0x27: {  	s1 =	sld [smem:$0x3FAA]  }
0x28: {  	s2 =	sld [smem:$0x3FAB]  }
0x29: {  	s4 =	sld [smem:$0x3FAD]  }
0x2a: {  	p0 =	seq.s32 s5, $0x0;
	s5 =	sld [smem:$0x3FAE]  }
0x2b: {  	s6 =	sld [smem:$0x3FAF]  }
0x2c: {  	s7 =	sld [smem:$0x3FB0]  }
0x2d: {  	s3 =	simm.s32 $0x108;
	s8 =	sld [smem:$0x3FB1]  }
0x2e: {  	s3 =	simm.s32 @!p0 $0x1082;
	s9 =	sld [smem:$0x3FB2]  }
0x2f: {  	lr =	sadd.s32 s0, s3;
	s0 =	sld [smem:$0x3FA9]  }
0x30: {  	s3 =	sld [smem:$0x3FAC]  }
0x31: {  	[smem:$0x3FB5] =	sst s10  }
0x32: {  	s10 =	sld [smem:$0x3FB3];
	_ =	sdelay $0x3  }
0x33: {  	p0 =	seq.s32 s10, $0x1;
	s10 =	sld [smem:$0x3FB5];
	_ =	sdelay $0x3  }
0x34: {  	[smem:$0x3FB5] =	sst s10  }
0x35: {  	s10 =	sld [smem:$0x3FB4];
	_ =	sdelay $0x3  }
0x36: {  	p1 =	seq.s32 s10, $0x1;
	s10 =	sld [smem:$0x3FB5];
	_ =	sdelay $0x3  }
0x37: {  	[smem:$0x3FB5] =	sst s10  }
0x38: {  	s10 =	sld [smem:$0x3FB6]  }
0x39: {  	_ = 	snop;
	(pc) =	sbr.ind lr, $3  }
0x3a: {  	_ = 	snop  }
0x3b: {  	_ = 	snop  }
0x3c: {  	p2 =	seq.s32 s10, $0x1;
	s10 =	sld [smem:$0x3FB5]  }
0x3d: {  	_ =	shalt  }
0x3e: {  	_ =	shalt  }
0x3f: {  	_ =	shalt  }
0x40: {  	_ =	shalt  }
0x41: {  	_ =	shalt  }
0x42: {  	_ =	shalt  }
0x43: {  	_ =	shalt  }
0x44: {  	_ =	shalt  }
0x45: {  	_ =	shalt  }
0x46: {  	_ =	shalt  }
0x47: {  	_ =	shalt  }
0x48: {  	_ =	shalt  }
0x49: {  	_ =	shalt  }
0x4a: {  	_ =	shalt  }
0x4b: {  	_ =	shalt  }
0x4c: {  	_ =	shalt  }
0x4d: {  	_ =	shalt  }
0x4e: {  	_ =	shalt  }
0x4f: {  	_ =	shalt  }
0x50: {  	_ =	shalt  }
0x51: {  	_ =	shalt  }
0x52: {  	_ =	shalt  }
0x53: {  	_ =	shalt  }
0x54: {  	_ =	shalt  }
0x55: {  	_ =	shalt  }
0x56: {  	_ =	shalt  }
0x57: {  	_ =	shalt  }
0x58: {  	_ =	shalt  }
0x59: {  	_ =	shalt  }
0x5a: {  	_ =	shalt  }
0x5b: {  	_ =	shalt  }
0x5c: {  	_ =	shalt  }
0x5d: {  	_ =	shalt  }
0x5e: {  	_ =	shalt  }
0x5f: {  	_ =	shalt  }
0x60: {  	_ =	shalt  }
0x61: {  	_ =	shalt  }
0x62: {  	_ =	shalt  }
0x63: {  	_ =	shalt  }
0x64: {  	_ =	shalt  }
0x65: {  	_ =	shalt  }
0x66: {  	_ =	shalt  }
0x67: {  	_ =	shalt  }
0x68: {  	_ =	shalt  }
0x69: {  	_ =	shalt  }
0x6a: {  	_ =	shalt  }
0x6b: {  	_ =	shalt  }
0x6c: {  	_ =	shalt  }
0x6d: {  	_ =	shalt  }
0x6e: {  	_ =	shalt  }
0x6f: {  	_ =	shalt  }
0x70: {  	_ =	shalt  }
0x71: {  	_ =	shalt  }
0x72: {  	_ =	shalt  }
0x73: {  	_ =	shalt  }
0x74: {  	_ =	shalt  }
0x75: {  	_ =	shalt  }
0x76: {  	_ =	shalt  }
0x77: {  	_ =	shalt  }
0x78: {  	_ =	shalt  }
0x79: {  	_ =	shalt  }
0x7a: {  	_ =	shalt  }
0x7b: {  	_ =	shalt  }
0x7c: {  	_ =	shalt  }
0x7d: {  	_ =	shalt  }
0x7e: {  	_ =	shalt  }
0x7f: {  	_ =	shalt  }
0x80: {  	_ =	shalt  }
0x81: {  	_ =	shalt  }
0x82: {  	_ =	shalt  }
0x83: {  	_ =	shalt  }
0x84: {  	_ =	shalt  }
0x85: {  	_ =	shalt  }
0x86: {  	_ =	shalt  }
0x87: {  	_ =	shalt  }
.Lfunc_end0:
.L_simem_size_0:
called_computation_lowered:
.L_overlay_start_0:
0x88: {  	s2 =	sld [smem:$0x3FD9]  }
0x89: {  	s3 =	sld [smem:$0x3FFE];
	_ =	sdelay $0x1  }
0x8a: {  	s1 =	srdreg.scid  }
0x8b: {  	s0 =	sand.u32 $0x1, s1  }
0x8c: {  	s16 =	sshll.u32 s0, $0xA;
	s2 =	sadd.s32 s3, s2  }
0x8d: {  	s2 =	sadd.s32 s2, s16  }
0x8e: {  	[smem:$0x3FC1] =	sst s2  }
0x8f: {  	_ = 	snop  }
0x90: {  	(tm) =	ssettm $0x1  }
0x91: {  	s17 =	sld [smem:$0x3FFB];
	_ =	sdelay $0x3  }
0x92: {  	_ =	strace s17  }
0x93: {  	s2 =	sld [smem:$0x3FFC];
	_ =	sdelay $0x3  }
0x94: {  	_ =	strace s2  }
0x95: {  	s2 =	sld [smem:$0x3FFD];
	_ =	sdelay $0x3  }
0x96: {  	_ =	strace s2  }
0x97: {  	_ =	strace $0x8FFFFFFF  }
0x98: {  	s18 =	sld [smem:$0x3FDB];
	_ =	sdelay $0x1  }
0x99: {  	s19 =	simm.s32 $_scs_section_size  }
0x9a: {  	s4 =	simm.s32 $_size__tile_overlayer_lowered;
	s5 =	simm.s32 $_tile_overlayer_lowered  }
0x9b: {  	s22 =	simm.s32 $0x1BFF;
	s21 =	sshll.u32 s5, $0x1;
	s2 =	sadd.s32 s19, s18  }
0x9c: {  	s6 =	simm.s32 $0x0;
	s20 =	sshll.u32 s4, $0x1;
	s4 =	sadd.s32 s21, s2  }
0x9d: {  	[timem:s6], [sflag:s22] =	dma.local [hbm:s4], s20  }
0x9e: {  	_ =	swait.ge [sflag:s22], s20  }
0x9f: {  	s3 =	ssub.s32 $0x0, s20;
	[sflag:s22] =	ssyncset.done $0x0  }
0xa0: {  	[sflag:s22] =	ssyncadd.s32 s3;
	_ =	sdelay $0x1  }
0xa1: {  	s23 =	simm.s32 $0x1B8B  }
0xa2: {  	_ =	swait.ge [sflag:s23], $0x1  }
0xa3: {  	[sflag:s23] =	ssyncset.done $0x0  }
0xa4: {  	s25 =	simm.s32 $0x1B8E;
	s24 =	sld [smem:$0x3FFE];
	[sflag:s23] =	ssyncadd.s32 $0xFFFFFFFF  }
0xa5: {  	s26 =	simm.s32 $execute0_lowered;
	[smem:$0x3FD2] =	sst s25  }
0xa6: {  	s4 =	sshll.u32 s26, $0x1;
	_ =	strace $0x80000046;
	[dreg:$0x1] =	wrdreg $0xFFFFFFFF  }
0xa7: {  	s28 =	simm.s32 $_size_execute0_lowered;
	s2 =	sadd.s32 s2, s4;
	[dreg:$0x0] =	wrdreg $0x0  }
0xa8: {  	s4 =	sshll.u32 s28, $0x1;
	[dreg:$0x2] =	wrdreg s2  }
0xa9: {  	[dreg:$0x3] =	wrdreg s4  }
0xaa: {  	[dreg:$0x4] =	wrdreg $0xC0  }
0xab: {  	_ =	task [dreg:s6], $0x5FFFF  }
0xac: {  	[dreg:$0x1] =	wrdreg $0xFFFFFFFF  }
0xad: {  	[dreg:$0x0] =	wrdreg $0x60  }
0xae: {  	[dreg:$0x2] =	wrdreg s24  }
0xaf: {  	[dreg:$0x3] =	wrdreg $0xA  }
0xb0: {  	_ =	task.clear_ibuf [dreg:s6], $0x4FFFF;
	_ =	strace $0x90000046  }
0xb1: {  	s29 =	simm.s32 $0xA;
	_ =	strace $0x80000048  }
0xb2: {  	_ =	swait.ge [sflag:s29], $0x1  }
0xb3: {  	[sflag:s29] =	ssyncadd.s32 $0xFFFFFFFF  }
0xb4: {  	_ =	strace $0x90000048  }
0xb5: {  	_ =	sfence  }
0xb6: {  	s30 =	sld [smem:$0x0];
	_ =	sdelay $0x2  }
0xb7: {  	s31 =	sshll.u32 s1, $0xD;
	s1 =	sshrl.u32 s1, $0x2  }
0xb8: {  	s3 =	sand.u32 $0x4000, s31;
	s1 =	sadd.s32 s1, s30  }
0xb9: {  	s0 =	sor.u32 s3, s0;
	s1 =	sshll.u32 s1, $0x11  }
0xba: {  	s0 =	sor.u32 s1, s0  }
0xbb: {  	s0 =	sadd.s32 $0x8F2B, s0  }
0xbc: {  	[sflag:s0] =	ssyncadd.remote.s32 $0x1  }
0xbd: {  	_ =	sfence.sel $0xFFFF  }
0xbe: {  	[dreg:$0x0] =	wrdreg $0xFFFFFFFF;
	(pc) =	sbr.abs _section_cstart, $3  }
0xbf: {  	[dreg:$0x1] =	wrdreg $0xFFFFFFFF  }
0xc0: {  	_ =	task.clear_ibuf [dreg:s6], $0x2FFFF;
	_ =	strace $0x9FFFFFFF  }
0xc1: {  	(tm) =	ssettm $0x7FFFFFFF  }
tec
execute0_lowered:
.L_overlay_start_1:
0x0: {  	(tag) =	ssettag $0x1  }
0x1: {  	s8 =	rddreg [dreg:$0x0];
	s1 =	stileid.u32  }
0x2: {  	s2 =	srdreg.scid;
	s0 =	rddreg [dreg:$0x1]  }
0x3: {  	_ =	strace $0x80000047;
	s5 =	simm.s32 $0x1;
	s9 =	simm.s32 $0x1  }
0x4: {  	s10 =	simm.s32 $0x3;
	s2 =	sand.u32 $0x1, s2;
	s3 =	sshll.u32 s1, $0x1  }
0x5: {  	s13 =	simm.s32 $0x0;
	s12 =	simm.s32 $0x0;
	s6 =	sor.u32 s3, s2  }
0x6: {  	[sflag:s5] =	ssyncpa.u1 $0x0;
	s2 =	sadd.s32 $0x15600, s8;
	s4 =	smul.u32 $0x2400, s6  }
0x7: {  	s3 =	sadd.s32 $0xB400, s8;
	p0 =	slt.u32 s6, $0x5;
	s6 =	simm.s32 $0x48000  }
.Ltmp0:
0x8: {  	s6 =	simm.s32 @!p0 $0x0;
	s7 =	ssub.s32 $0x51000, s4;
	(pc) =	sbr.rel .LBB2_1-.Ltmp0, $4  }
0x9: {  	s9 =	simm.s32 @!p0 $0x0;
	p0 =	sne.s32 s7, s6;
	s7 =	simm.s32 $0x1  }
0xa: {  	s8 =	sadd.s32 $0x1F800, s8;
	s6 =	simm.s32 $0x2;
	s7 =	simm.s32 @!p0 $0x0  }
0xb: {  	s11 =	smov.u32 s4;
	[sflag:s6] =	ssyncpa.u1 $0x0;
	s7 =	sadd.s32 s9, s7  }
0xc: {  	vm0 =	vmmov $0xffff;
	[sflag:s10] =	ssyncpa.u1 $0x0;
	s10 =	simm.s32 $0x0;
	s9 =	sadd.s32 $0x1, s7  }
.LBB2_4:
0xd: {  	v2 =	vnsel vm1, $0x0, v2  }
0xe: {  	vm1 =	vgt.s32 v0, $0x0;
	v2 =	vmin.u32 v2, $0x50FFF  }
0xf: {  	v0 =	vnsel vm1, $0x0, v0  }
0x10: {  	v0 =	vmin.u32 v0, $0x50FFF  }
0x11: {  	[tilespmem:s18], [sflag:$0x1] =	stream.indirect_vreg.gather [hbm4b:s2+s10], $0x1, v1, vm0, $0x4038;
	[tilespmem:$0x9000] =	vst v63  }
0x12: {  	(ifvalue) =	ssetifvalue $0x7FFFFFFF  }
0x13: {  	[tilespmem:s15], [sflag:$0x1] =	stream.indirect_vreg.gather [hbm4b:s2+s10], $0x1, v2, vm0, $0x4038;
	[tilespmem:$0x9000] =	vst v63  }
0x14: {  	s29 =	sadd.s32 $0x10, s15;
	(ifvalue) =	ssetifvalue $0x7FFFFFFF  }
0x15: {  	[tilespmem:s29], [sflag:$0x1] =	stream.indirect_vreg.gather [hbm4b:s2+s10], $0x1, v0, vm0, $0x4038;
	[tilespmem:$0x9000] =	vst v63  }
0x16: {  	_ =	swait.ge [sflag:s5], $0x2400  }
0x17: {  	s30 =	sshrl.u32 s13, $0x3;
	[sflag:s5] =	ssyncset.done $0x0  }
0x18: {  	s31 =	sand.u32 $0x7, s13;
	s15 =	sadd.s32 s8, s30;
	[sflag:s5] =	ssyncadd.s32 $0xFFFFDC00  }
0x19: {  	[hbm4b:s15+s31] =	stream.linear.scatter [tilespmem:s14], [sflag:$0x3], $0x2400, $0x38;
	[tilespmem:$0x9000] =	vst v63  }
.LBB2_5:
0x1a: {  	s15 =	sadd.s32 $0x48000, s11  }
0x1b: {  	p1 =	sgt.s32 s15, $0x50FFF  }
0x1c: {  	s15 =	smov.u32 @p1 s4;
	p1 =	sne.s32 s12, s9  }
.Ltmp1:
0x1d: {  	p0 =	slt.u32 s12, $0x2;
	(pc) =	sbr.rel @!p1 .LBB2_6-.Ltmp1, $4  }
0x1e: {  	s14 =	simm.s32 @!p0 $0x3  }
0x1f: {  	_ =	swait.ge @!p0 [sflag:s14], $0x2400  }
0x20: {  	s16 =	sadd.s32 $0x1, s12;
	s13 =	smov.u32 s11;
	[sflag:s14] =	ssyncset.done @!p0 $0x0  }
0x21: {  	s12 =	smov.u32 s16;
	s11 =	smov.u32 s15;
	[sflag:s14] =	ssyncadd.s32 @!p0 $0xFFFFDC00  }
.LBB2_1:
0x22: {  	p0 =	sge.u32 s12, s7  }
0x23: {  	s14 =	sxor.u32 @!p0 $0x1, s12  }
0x24: {  	s14 =	smul.u32 @!p0 $0x9000, s14  }
0x25: {  	s31 =	sadd.s32 $0xFFFFFFFF, s12;
	s15 =	sshrl.u32 @!p0 s11, $0x3  }
0x26: {  	s16 =	sand.u32 @!p0 $0x7, s11;
	s15 =	sadd.s32 @!p0 s3, s15;
	s14 =	sshra.s32 @!p0 s14, $0x2  }
0x27: {  	[tilespmem:s14], [sflag:$0x2] =	stream.linear.gather @!p0 [hbm4b:s15+s16], $0x2400, $0x38;
	[tilespmem:$0x9000] =	vst v63  }
0x28: {  	p0 =	sge.u32 s31, s7  }
.Ltmp2:
0x29: {  	_ = 	snop;
	(pc) =	sbr.rel @p0 .LBB2_5-.Ltmp2, $1  }
0x2a: {  	_ =	sdelay $0x3  }
0x2b: {  	s14 =	sand.u32 $0x1, s12  }
0x2c: {  	_ =	swait.ge [sflag:s6], $0x2400;
	p0 =	seq.s32 s14, $0x1;
	s14 =	simm.s32 $0x2400  }
0x2d: {  	[sflag:s6] =	ssyncset.done $0x0;
	s14 =	simm.s32 @!p0 $0x0  }
0x2e: {  	[sflag:s6] =	ssyncadd.s32 $0xFFFFDC00;
	(ifvalue) =	ssetifvalue $0x7FFFFFFF;
	v0 =	vld.msk [tilespmem:s14+$0x0 ss:$0x1], $0xffff;
	_ =	sdelay $0x4  }
0x2f: {  	s15 =	sadd.s32 $0x10, s14;
	vm1 =	vgt.s32 v0, $0x0  }
0x30: {  	v2 =	vld.msk [tilespmem:s15+$0x0 ss:$0x1], $0xffff;
	v1 =	vnsel vm1, $0x0, v0  }
0x31: {  	v1 =	vmin.u32 v1, $0x50FFF;
	_ =	sdelay $0x2  }
0x32: {  	s17 =	simm.s32 $0x20;
	s14 =	sor.u32 $0x4800, s14;
	s16 =	sadd.s32 $0x10, s15  }
0x33: {  	s15 =	sadd.s32 $0x10, s14;
	s18 =	smov.u32 s14;
	v0 =	vld.msk [tilespmem:s16+$0x0 ss:$0x1], $0xffff;
	vm1 =	vgt.s32 v2, $0x0;
	(ifvalue) =	ssetifvalue $0x7FFFFFFF  }
.LBB2_3:
0x34: {  	[tilespmem:s18], [sflag:$0x1] =	stream.indirect_vreg.gather [hbm4b:s2+s10], $0x1, v1, vm0, $0x4038;
	[tilespmem:$0x9000] =	vst v63  }
0x35: {  	s17 =	sadd.s32 $0x10, s17  }
0x36: {  	v2 =	vnsel vm1, $0x0, v2;
	p0 =	slt.u32 s17, $0x23F0  }
.Ltmp3:
0x37: {  	s18 =	smov.u32 s15;
	v1 =	vmin.u32 v2, $0x50FFF;
	(pc) =	sbr.rel @p0 .LBB2_3-.Ltmp3, $3  }
0x38: {  	_ =	sdelay $0x1  }
0x39: {  	s16 =	sadd.s32 $0x10, s16  }
0x3a: {  	vm1 =	vgt.s32 v0, $0x0;
	s15 =	sadd.s32 $0x10, s15;
	v2 =	vmov v0;
	(ifvalue) =	ssetifvalue $0x7FFFFFFF;
	v0 =	vld.msk [tilespmem:s16+$0x0 ss:$0x1], $0xffff  }
.Ltmp4:
0x3b: {  	_ = 	snop;
	(pc) =	sbr.rel .LBB2_4-.Ltmp4, $1  }
0x3c: {  	_ =	sdelay $0x3  }
.LBB2_6:
0x3d: {  	_ =	sfence.sel $0x180000  }
0x3e: {  	s2 =	simm.s32 $0x2;
	[bflag:$0x0] =	sbarrier.arrive $0xFFFF  }
0x3f: {  	s30 =	simm.s32 $0x3;
	[sflag:s2] =	ssyncpa.u1 $0x1  }
0x40: {  	s31 =	simm.s32 $0x1;
	[sflag:s30] =	ssyncpa.u1 $0x1  }
0x41: {  	[sflag:s31] =	ssyncpa.u1 $0x1  }
0x42: {  	p0 =	sne.s32 s1, $0x0;
	_ =	strace $0x90000047  }
0x43: {  	s0 =	sadd.s32 @!p0 $0x100000, s0;
	[bflag:$0x2] =	sbarrier.arrive $0xFFFF  }
0x44: {  	[sflag:s0] =	ssyncadd.tile.s32 @!p0 $0x1;
	_ =	shalt  }
.Lfunc_end2:
_tile_overlayer_lowered:
.L_overlay_start_2:
0x45: {  	(tag) =	ssettag $0x2  }
0x46: {  	s0 =	rddreg [dreg:$0x0];
	s2 =	stileid.u32  }
0x47: {  	s1 =	rddreg [dreg:$0x1];
	p0 =	sne.s32 s2, $0x0  }
0x48: {  	s3 =	rddreg [dreg:$0x2];
	[bflag:$0x3] =	sbarrier.arrive $0xFFFF;
	s2 =	simm.s32 @!p0 $0x1C01  }
0x49: {  	[timem:s3], [sflag:s2] =	dma.local @!p0 [hbm:s0], s1  }
0x4a: {  	s0 =	simm.s32 @!p0 $0x1  }
0x4b: {  	_ =	swait.ge @!p0 [sflag:s0], s1  }
0x4c: {  	s1 =	ssub.s32 @!p0 $0x0, s1;
	[sflag:s0] =	ssyncset.done @!p0 $0x0  }
0x4d: {  	[sflag:s0] =	ssyncadd.s32 @!p0 s1  }
0x4e: {  	[bflag:$0x3] =	sbarrier.arrive $0xFFFF  }
0x4f: {  	_ =	shalt  }

// kernel: kernel.6.cloned.1.call-start
scs
__scs_entry_jumppad:
0x0: {  	(pc) =	sbr.rel $0x88, $3  }
0x1: {  	(tag) =	ssettag $0x0;
	lr =	simm.s32 $0x1  }
0x2: {  	[smem:$0x3F9A] =	sst lr;
	_ =	strace $0xD0000000  }
0x3: {  	_ = 	snop  }
0x4: {  	_ = 	snop  }
0x5: {  	_ = 	snop  }
0x6: {  	_ = 	snop  }
0x7: {  	_ = 	snop  }
__scs_overlays_trampoline_lowered:
0x8: {  	[smem:$0x3FA9] =	sst s0  }
0x9: {  	[smem:$0x3FAA] =	sst s1  }
0xa: {  	[smem:$0x3FAB] =	sst s2  }
0xb: {  	[smem:$0x3FAC] =	sst s3  }
0xc: {  	[smem:$0x3FAD] =	sst s4  }
0xd: {  	[smem:$0x3FAE] =	sst s5  }
0xe: {  	[smem:$0x3FAF] =	sst s6  }
0xf: {  	[smem:$0x3FB0] =	sst s7  }
0x10: {  	[smem:$0x3FB1] =	sst s8  }
0x11: {  	[smem:$0x3FB2] =	sst s9;
	s0 =	simm.s32 @!p0 $0x0  }
0x12: {  	s1 =	sld [smem:$0x3F98];
	s0 =	simm.s32 @p0 $0x1  }
0x13: {  	[smem:$0x3FB3] =	sst s0;
	s0 =	simm.s32 @!p1 $0x0  }
0x14: {  	s2 =	sld [smem:$0x3F97];
	s0 =	simm.s32 @p1 $0x1  }
0x15: {  	[smem:$0x3FB4] =	sst s0;
	s0 =	simm.s32 @!p2 $0x0  }
0x16: {  	s3 =	sld [smem:$0x3FDB];
	s0 =	simm.s32 @p2 $0x1  }
0x17: {  	s4 =	simm.s32 $0x1BF5;
	[smem:$0x3FB6] =	sst s0  }
0x18: {  	s0 =	sld [smem:$0x3F99];
	_ =	swait.ge [sflag:s4], $0x0  }
0x19: {  	s7 =	sld [smem:$0x3F9A]  }
0x1a: {  	s8 =	sadd.s32 $0xFFFFE003, lr  }
0x1b: {  	s9 =	sadd.s32 $0xFFFFFEF7, lr;
	s5 =	simm.s32 $0xFFFFFFFF;
	p2 =	slt.u32 s8, $0xFFFFF086  }
0x1c: {  	p1 =	slt.u32 s9, $0xF7A;
	s5 =	simm.s32 @!p2 $0x0  }
0x1d: {  	s5 =	simm.s32 @p1 $0x1;
	p0 =	seq.s32 s7, s2  }
0x1e: {  	s7 =	smul.u32 @!p0 $0xF7A, s2;
	p2 =	seq.s32 @!p0 s5, $0x0  }
0x1f: {  	s9 =	smul.u32 $0xF7A, s1;
	s8 =	simm.s32 @!p0 $0x1BF5;
	p2 =	por !p2, p0  }
0x20: {  	[sflag:s8] =	ssyncset.s32 @!p0 $0xFFFFF086;
	s6 =	sadd.s32 @!p0 s3, s7;
	s7 =	simm.s32 @!p0 $0x108  }
0x21: {  	s3 =	sadd.s32 s3, s9;
	s6 =	sadd.s32 @!p0 $0x88, s6;
	s7 =	simm.s32 @p2 $0x1082  }
0x22: {  	[simem:s7], [sflag:s8] =	dma.local @!p0 [hbm:s6], $0xF7A  }
0x23: {  	s9 =	sor.u32 $0xD0000000, s2;
	s6 =	simm.s32 $0x108;
	_ =	swait.ge @!p0 [sflag:s8], $0x0  }
0x24: {  	s3 =	sadd.s32 $0x88, s3;
	s6 =	simm.s32 @!p1 $0x1082;
	[sflag:s4] =	ssyncset.s32 $0xFFFFF086  }
0x25: {  	[simem:s6], [sflag:s4] =	dma.local [hbm:s3], $0xF7A  }
0x26: {  	[smem:$0x3F9A] =	sst s1;
	(tag) =	ssettag s2;
	_ =	strace s9  }
0x27: {  	s1 =	sld [smem:$0x3FAA]  }
0x28: {  	s2 =	sld [smem:$0x3FAB]  }
0x29: {  	s4 =	sld [smem:$0x3FAD]  }
0x2a: {  	p0 =	seq.s32 s5, $0x0;
	s5 =	sld [smem:$0x3FAE]  }
0x2b: {  	s6 =	sld [smem:$0x3FAF]  }
0x2c: {  	s7 =	sld [smem:$0x3FB0]  }
0x2d: {  	s3 =	simm.s32 $0x108;
	s8 =	sld [smem:$0x3FB1]  }
0x2e: {  	s3 =	simm.s32 @!p0 $0x1082;
	s9 =	sld [smem:$0x3FB2]  }
0x2f: {  	lr =	sadd.s32 s0, s3;
	s0 =	sld [smem:$0x3FA9]  }
0x30: {  	s3 =	sld [smem:$0x3FAC]  }
0x31: {  	[smem:$0x3FB5] =	sst s10  }
0x32: {  	s10 =	sld [smem:$0x3FB3];
	_ =	sdelay $0x3  }
0x33: {  	p0 =	seq.s32 s10, $0x1;
	s10 =	sld [smem:$0x3FB5];
	_ =	sdelay $0x3  }
0x34: {  	[smem:$0x3FB5] =	sst s10  }
0x35: {  	s10 =	sld [smem:$0x3FB4];
	_ =	sdelay $0x3  }
0x36: {  	p1 =	seq.s32 s10, $0x1;
	s10 =	sld [smem:$0x3FB5];
	_ =	sdelay $0x3  }
0x37: {  	[smem:$0x3FB5] =	sst s10  }
0x38: {  	s10 =	sld [smem:$0x3FB6]  }
0x39: {  	_ = 	snop;
	(pc) =	sbr.ind lr, $3  }
0x3a: {  	_ = 	snop  }
0x3b: {  	_ = 	snop  }
0x3c: {  	p2 =	seq.s32 s10, $0x1;
	s10 =	sld [smem:$0x3FB5]  }
0x3d: {  	_ =	shalt  }
0x3e: {  	_ =	shalt  }
0x3f: {  	_ =	shalt  }
0x40: {  	_ =	shalt  }
0x41: {  	_ =	shalt  }
0x42: {  	_ =	shalt  }
0x43: {  	_ =	shalt  }
0x44: {  	_ =	shalt  }
0x45: {  	_ =	shalt  }
0x46: {  	_ =	shalt  }
0x47: {  	_ =	shalt  }
0x48: {  	_ =	shalt  }
0x49: {  	_ =	shalt  }
0x4a: {  	_ =	shalt  }
0x4b: {  	_ =	shalt  }
0x4c: {  	_ =	shalt  }
0x4d: {  	_ =	shalt  }
0x4e: {  	_ =	shalt  }
0x4f: {  	_ =	shalt  }
0x50: {  	_ =	shalt  }
0x51: {  	_ =	shalt  }
0x52: {  	_ =	shalt  }
0x53: {  	_ =	shalt  }
0x54: {  	_ =	shalt  }
0x55: {  	_ =	shalt  }
0x56: {  	_ =	shalt  }
0x57: {  	_ =	shalt  }
0x58: {  	_ =	shalt  }
0x59: {  	_ =	shalt  }
0x5a: {  	_ =	shalt  }
0x5b: {  	_ =	shalt  }
0x5c: {  	_ =	shalt  }
0x5d: {  	_ =	shalt  }
0x5e: {  	_ =	shalt  }
0x5f: {  	_ =	shalt  }
0x60: {  	_ =	shalt  }
0x61: {  	_ =	shalt  }
0x62: {  	_ =	shalt  }
0x63: {  	_ =	shalt  }
0x64: {  	_ =	shalt  }
0x65: {  	_ =	shalt  }
0x66: {  	_ =	shalt  }
0x67: {  	_ =	shalt  }
0x68: {  	_ =	shalt  }
0x69: {  	_ =	shalt  }
0x6a: {  	_ =	shalt  }
0x6b: {  	_ =	shalt  }
0x6c: {  	_ =	shalt  }
0x6d: {  	_ =	shalt  }
0x6e: {  	_ =	shalt  }
0x6f: {  	_ =	shalt  }
0x70: {  	_ =	shalt  }
0x71: {  	_ =	shalt  }
0x72: {  	_ =	shalt  }
0x73: {  	_ =	shalt  }
0x74: {  	_ =	shalt  }
0x75: {  	_ =	shalt  }
0x76: {  	_ =	shalt  }
0x77: {  	_ =	shalt  }
0x78: {  	_ =	shalt  }
0x79: {  	_ =	shalt  }
0x7a: {  	_ =	shalt  }
0x7b: {  	_ =	shalt  }
0x7c: {  	_ =	shalt  }
0x7d: {  	_ =	shalt  }
0x7e: {  	_ =	shalt  }
0x7f: {  	_ =	shalt  }
0x80: {  	_ =	shalt  }
0x81: {  	_ =	shalt  }
0x82: {  	_ =	shalt  }
0x83: {  	_ =	shalt  }
0x84: {  	_ =	shalt  }
0x85: {  	_ =	shalt  }
0x86: {  	_ =	shalt  }
0x87: {  	_ =	shalt  }
.Lfunc_end0:
.L_simem_size_0:
called_computation.2_lowered:
.L_overlay_start_0:
0x88: {  	s2 =	sld [smem:$0x3FD9]  }
0x89: {  	s3 =	sld [smem:$0x3FFE];
	_ =	sdelay $0x1  }
0x8a: {  	s1 =	srdreg.scid  }
0x8b: {  	s0 =	sand.u32 $0x1, s1  }
0x8c: {  	s17 =	sshll.u32 s0, $0xA;
	s2 =	sadd.s32 s3, s2  }
0x8d: {  	s2 =	sadd.s32 s2, s17  }
0x8e: {  	[smem:$0x3FC1] =	sst s2  }
0x8f: {  	_ = 	snop  }
0x90: {  	(tm) =	ssettm $0x1  }
0x91: {  	s18 =	sld [smem:$0x3FFB];
	_ =	sdelay $0x3  }
0x92: {  	_ =	strace s18  }
0x93: {  	s2 =	sld [smem:$0x3FFC];
	_ =	sdelay $0x3  }
0x94: {  	_ =	strace s2  }
0x95: {  	s2 =	sld [smem:$0x3FFD];
	_ =	sdelay $0x3  }
0x96: {  	_ =	strace s2  }
0x97: {  	_ =	strace $0x8FFFFFFF  }
0x98: {  	s19 =	sld [smem:$0x3FDB];
	_ =	sdelay $0x1  }
0x99: {  	s20 =	simm.s32 $_scs_section_size  }
0x9a: {  	s4 =	simm.s32 $_size__tile_overlayer_lowered;
	s5 =	simm.s32 $_tile_overlayer_lowered  }
0x9b: {  	s6 =	simm.s32 $0x1BFF;
	s21 =	sshll.u32 s5, $0x1;
	s3 =	sadd.s32 s20, s19  }
0x9c: {  	s22 =	simm.s32 $0x0;
	s4 =	sshll.u32 s4, $0x1;
	s5 =	sadd.s32 s21, s3  }
0x9d: {  	[timem:s22], [sflag:s6] =	dma.local [hbm:s5], s4  }
0x9e: {  	_ =	swait.ge [sflag:s6], s4  }
0x9f: {  	s4 =	ssub.s32 $0x0, s4;
	[sflag:s6] =	ssyncset.done $0x0  }
0xa0: {  	[sflag:s6] =	ssyncadd.s32 s4;
	_ =	sdelay $0x1  }
0xa1: {  	s23 =	simm.s32 $0x1B8B  }
0xa2: {  	_ =	swait.ge [sflag:s23], $0x1  }
0xa3: {  	[sflag:s23] =	ssyncset.done $0x0  }
0xa4: {  	[sflag:s23] =	ssyncadd.s32 $0xFFFFFFFF  }
0xa5: {  	s4 =	sld [smem:$0x0]  }
0xa6: {  	s5 =	sand.u32 $0xFFFFFFFE, s1  }
0xa7: {  	p0 =	sne.s32 s1, s5  }
0xa8: {  	s5 =	sshll.u32 @p0 s5, $0xE  }
0xa9: {  	s5 =	sadd.s32 @p0 $0x11B8D, s5;
	s6 =	sshll.u32 @p0 s4, $0x11  }
0xaa: {  	s5 =	sor.u32 @p0 s6, s5  }
0xab: {  	[sflag:s5] =	ssyncadd.remote.s32 @p0 $0x1;
	_ =	sdelay $0x1  }
0xac: {  	s5 =	simm.s32 @p0 $0x1B8D  }
0xad: {  	_ =	swait.eq @p0 [sflag:s5], $0x1  }
0xae: {  	[sflag:s5] =	ssyncadd.s32 @p0 $0xFFFFFFFF  }
0xaf: {  	s6 =	sshll.u32 @!p0 s1, $0xE  }
0xb0: {  	s6 =	sor.u32 @!p0 $0x4000, s6;
	s5 =	simm.s32 @!p0 $0x1B8D  }
0xb1: {  	s4 =	sshll.u32 @!p0 s4, $0x11;
	s6 =	sadd.s32 @!p0 $0x11B8D, s6;
	_ =	swait.eq @!p0 [sflag:s5], $0x1  }
0xb2: {  	s4 =	sor.u32 @!p0 s4, s6;
	[sflag:s5] =	ssyncadd.s32 @!p0 $0xFFFFFFFF  }
0xb3: {  	s25 =	simm.s32 $0x1B8E;
	s24 =	sld [smem:$0x3FFE];
	[sflag:s4] =	ssyncadd.remote.s32 @!p0 $0x1  }
0xb4: {  	s26 =	simm.s32 $execute0_lowered;
	[smem:$0x3FD2] =	sst s25  }
0xb5: {  	s5 =	sshll.u32 s26, $0x1;
	_ =	strace $0x8000004C;
	[dreg:$0x1] =	wrdreg $0xFFFFFFFF  }
0xb6: {  	s28 =	simm.s32 $_size_execute0_lowered;
	s3 =	sadd.s32 s3, s5;
	[dreg:$0x0] =	wrdreg $0x0  }
0xb7: {  	s5 =	sshll.u32 s28, $0x1;
	[dreg:$0x2] =	wrdreg s3  }
0xb8: {  	[dreg:$0x3] =	wrdreg s5  }
0xb9: {  	[dreg:$0x4] =	wrdreg $0xC0  }
0xba: {  	_ =	task [dreg:s22], $0x5FFFF  }
0xbb: {  	[dreg:$0x1] =	wrdreg $0xFFFFFFFF  }
0xbc: {  	[dreg:$0x0] =	wrdreg $0x60  }
0xbd: {  	[dreg:$0x2] =	wrdreg s24  }
0xbe: {  	[dreg:$0x3] =	wrdreg $0xA  }
0xbf: {  	_ =	task.clear_ibuf [dreg:s22], $0x4FFFF;
	_ =	strace $0x9000004C  }
0xc0: {  	s29 =	simm.s32 $0xA;
	_ =	strace $0x8000004E  }
0xc1: {  	_ =	swait.ge [sflag:s29], $0x1  }
0xc2: {  	[sflag:s29] =	ssyncadd.s32 $0xFFFFFFFF  }
0xc3: {  	_ =	strace $0x9000004E  }
0xc4: {  	_ =	sfence  }
0xc5: {  	s30 =	sld [smem:$0x0];
	_ =	sdelay $0x2  }
0xc6: {  	s31 =	sshll.u32 s1, $0xD;
	s1 =	sshrl.u32 s1, $0x2  }
0xc7: {  	s4 =	sand.u32 $0x4000, s31;
	s1 =	sadd.s32 s1, s30  }
0xc8: {  	s0 =	sor.u32 s4, s0;
	s1 =	sshll.u32 s1, $0x11  }
0xc9: {  	s0 =	sor.u32 s1, s0  }
0xca: {  	s0 =	sadd.s32 $0x8F2B, s0  }
0xcb: {  	[sflag:s0] =	ssyncadd.remote.s32 $0x1  }
0xcc: {  	_ =	sfence.sel $0xFFFF  }
0xcd: {  	[dreg:$0x0] =	wrdreg $0xFFFFFFFF;
	(pc) =	sbr.abs _section_cstart, $3  }
0xce: {  	[dreg:$0x1] =	wrdreg $0xFFFFFFFF  }
0xcf: {  	_ =	task.clear_ibuf [dreg:s22], $0x2FFFF;
	_ =	strace $0x9FFFFFFF  }
0xd0: {  	(tm) =	ssettm $0x7FFFFFFF  }
0xd1: {  	_ =	shalt  }
tec
execute0_lowered:
.L_overlay_start_1:
0x0: {  	(tag) =	ssettag $0x1  }
0x1: {  	s4 =	rddreg [dreg:$0x0]  }
0x2: {  	s0 =	rddreg [dreg:$0x1];
	s2 =	simm.s32 $0x0;
	s1 =	stileid.u32  }
0x3: {  	s3 =	srdreg.scid;
	s10 =	simm.s32 $0x0;
	s6 =	smul.u32 $0x5100, s1  }
0x4: {  	[smem:$0x7FF] =	sst s2;
	s5 =	sand.u32 $0x1, s3;
	s8 =	smul.u32 $0x51000, s1  }
0x5: {  	s3 =	sadd.s32 $0x29A00, s4;
	s7 =	smul.u32 $0x2880, s5;
	s9 =	ssub.s32 $0x2, s5  }
0x6: {  	_ =	strace $0x8000004D;
	s5 =	smul.u32 $0x28800, s5;
	s31 =	sshrl.u32 s9, $0x1  }
0x7: {  	s8 =	sadd.s32 s8, s4;
	s6 =	sadd.s32 s7, s6;
	s7 =	ssub.s32 s9, s31  }
0x8: {  	s5 =	sadd.s32 s5, s8;
	s8 =	simm.s32 $0x80;
	s6 =	sshrl.u32 s6, $0x3  }
0x9: {  	s9 =	simm.s32 $0x1;
	s5 =	sadd.s32 $0x82000, s5;
	s6 =	sadd.s32 s6, s4  }
0xa: {  	s4 =	smax.u32 s7, $0x1;
	s7 =	simm.s32 $0x2;
	s6 =	sadd.s32 $0x1F800, s6  }
.LBB2_1:
0xb: {  	s11 =	sadd.s32 $0x0, s6  }
0xc: {  	[tilespmem:s2], [sflag:$0x2] =	stream.linear.gather [hbm4b:s11+s2], $0x80, $0x38;
	[tilespmem:$0x4080] =	vst v63  }
0xd: {  	_ =	swait.ge [sflag:s7], $0x80  }
0xe: {  	[sflag:s7] =	ssyncset.done $0x0  }
0xf: {  	[sflag:s7] =	ssyncadd.s32 $0xFFFFFF80  }
0x10: {  	[tilespmem:s8], [sflag:$0x1] =	stream.indirect.gather [hbm4b:s3+s8], $0x80, s2, s8, $0xb8;
	[tilespmem:$0x4080] =	vst v63  }
0x11: {  	_ =	swait.ge [sflag:s9], $0x4000  }
0x12: {  	[sflag:s9] =	ssyncset.done $0x0  }
0x13: {  	[sflag:s9] =	ssyncadd.s32 $0xFFFFC000  }
0x14: {  	[hbm4b:s5+s2] =	stream.linear.scatter [tilespmem:s8], [sflag:$0x2], $0x4000, $0x38;
	[tilespmem:$0x4080] =	vst v63  }
0x15: {  	s12 =	simm.s32 $0x10;
	_ =	swait.ge [sflag:s7], $0x4000  }
0x16: {  	s13 =	simm.s32 $0x20;
	s11 =	sadd.s32 $0x800, s5;
	[sflag:s7] =	ssyncset.done $0x0  }
.LBB2_2:
0x17: {  	s14 =	sadd.s32 s12, s6  }
0x18: {  	[sflag:s7] =	ssyncadd.s32 $0xFFFFC000;
	s12 =	smov.u32 s13;
	s15 =	sadd.s32 $0x10, s13  }
0x19: {  	[tilespmem:s2], [sflag:$0x2] =	stream.linear.gather [hbm4b:s14+s2], $0x80, $0x38;
	[tilespmem:$0x4080] =	vst v63  }
0x1a: {  	p0 =	sne.s32 s13, $0x500;
	_ =	swait.ge [sflag:s7], $0x80  }
0x1b: {  	[sflag:s7] =	ssyncset.done $0x0  }
0x1c: {  	[sflag:s7] =	ssyncadd.s32 $0xFFFFFF80  }
0x1d: {  	[tilespmem:s8], [sflag:$0x1] =	stream.indirect.gather [hbm4b:s3+s8], $0x80, s2, s8, $0xb8;
	[tilespmem:$0x4080] =	vst v63  }
0x1e: {  	_ =	swait.ge [sflag:s9], $0x4000  }
.Ltmp0:
0x1f: {  	[sflag:s9] =	ssyncset.done $0x0;
	(pc) =	sbr.rel @p0 .LBB2_2-.Ltmp0, $4  }
0x20: {  	[sflag:s9] =	ssyncadd.s32 $0xFFFFC000  }
0x21: {  	[hbm4b:s11+s2] =	stream.linear.scatter [tilespmem:s8], [sflag:$0x2], $0x4000, $0x38;
	[tilespmem:$0x4080] =	vst v63  }
0x22: {  	_ =	swait.ge [sflag:s7], $0x4000  }
0x23: {  	s13 =	smov.u32 s15;
	s11 =	sadd.s32 $0x800, s11;
	[sflag:s7] =	ssyncset.done $0x0  }
0x24: {  	s12 =	sadd.s32 s12, s6;
	[sflag:s7] =	ssyncadd.s32 $0xFFFFC000  }
0x25: {  	[tilespmem:s2], [sflag:$0x2] =	stream.linear.gather [hbm4b:s12+s2], $0x80, $0x38;
	[tilespmem:$0x4080] =	vst v63  }
0x26: {  	_ =	swait.ge [sflag:s7], $0x80  }
0x27: {  	[sflag:s7] =	ssyncset.done $0x0  }
0x28: {  	[sflag:s7] =	ssyncadd.s32 $0xFFFFFF80  }
0x29: {  	[tilespmem:s8], [sflag:$0x1] =	stream.indirect.gather [hbm4b:s3+s8], $0x80, s2, s8, $0xb8;
	[tilespmem:$0x4080] =	vst v63  }
0x2a: {  	s10 =	sadd.s32 $0x1, s10;
	_ =	swait.ge [sflag:s9], $0x4000  }
0x2b: {  	p0 =	sne.s32 s10, s4;
	[sflag:s9] =	ssyncset.done $0x0  }
.Ltmp1:
0x2c: {  	[sflag:s9] =	ssyncadd.s32 $0xFFFFC000;
	(pc) =	sbr.rel @p0 .LBB2_1-.Ltmp1, $4  }
0x2d: {  	[hbm4b:s11+s2] =	stream.linear.scatter [tilespmem:s8], [sflag:$0x2], $0x4000, $0x38;
	[tilespmem:$0x4080] =	vst v63  }
0x2e: {  	_ =	swait.ge [sflag:s7], $0x4000  }
0x2f: {  	[sflag:s7] =	ssyncset.done $0x0  }
0x30: {  	[sflag:s7] =	ssyncadd.s32 $0xFFFFC000  }
0x31: {  	_ =	sfence.sel $0x180000  }
0x32: {  	[bflag:$0x0] =	sbarrier.arrive $0xFFFF  }
0x33: {  	p0 =	sne.s32 s1, $0x0;
	_ =	strace $0x9000004D  }
0x34: {  	s0 =	sadd.s32 @!p0 $0x100000, s0;
	[bflag:$0x2] =	sbarrier.arrive $0xFFFF  }
0x35: {  	[sflag:s0] =	ssyncadd.tile.s32 @!p0 $0x1;
	_ =	shalt  }
.Lfunc_end2:
_tile_overlayer_lowered:
.L_overlay_start_2:
0x36: {  	(tag) =	ssettag $0x2  }
0x37: {  	s0 =	rddreg [dreg:$0x0];
	s2 =	stileid.u32  }
0x38: {  	s1 =	rddreg [dreg:$0x1];
	p0 =	sne.s32 s2, $0x0  }
0x39: {  	s3 =	rddreg [dreg:$0x2];
	[bflag:$0x3] =	sbarrier.arrive $0xFFFF;
	s2 =	simm.s32 @!p0 $0x1C02  }
0x3a: {  	[timem:s3], [sflag:s2] =	dma.local @!p0 [hbm:s0], s1  }
0x3b: {  	s0 =	simm.s32 @!p0 $0x2  }
0x3c: {  	_ =	swait.ge @!p0 [sflag:s0], s1  }
0x3d: {  	s1 =	ssub.s32 @!p0 $0x0, s1;
	[sflag:s0] =	ssyncset.done @!p0 $0x0  }
0x3e: {  	[sflag:s0] =	ssyncadd.s32 @!p0 s1  }
0x3f: {  	[bflag:$0x3] =	sbarrier.arrive $0xFFFF  }
0x40: {  	_ =	shalt  }

</sc_bundles>
